<compile_context>
chip_gen: v7x
topology: tpu7x:2x2x1
jax: 0.10.2.dev20260603
libtpu: 0.0.44.dev20260713+nightly
codegen_flags: <defaults>
</compile_context>

<pallas_src>
import functools

import jax
import jax.numpy as jnp
from jax import lax
from jax.experimental import pallas as pl
from jax.experimental.pallas import tpu as pltpu
from jax.experimental.pallas import tpu_sc as plsc

NC = 2
NS = 16
NW = NC * NS
L = 16
NB = 64


@functools.lru_cache(maxsize=None)
def _make_kernel(B: int, F: int, V: int, D: int, NUM: int):
    OW = F * D + NUM
    CH = NB * F
    Btot = B * F
    per_w = Btot // NW
    per_wb = B // NW
    nchunk = per_wb // NB
    ngrp = CH // L
    assert per_w * NW == Btot and nchunk * NB == per_wb and ngrp * L == CH
    assert D == L

    mesh = plsc.VectorSubcoreMesh(core_axis_name="c", subcore_axis_name="s")

    @functools.partial(
        pl.kernel,
        out_type=jax.ShapeDtypeStruct((B * OW,), jnp.float32),
        mesh=mesh,
        compiler_params=pltpu.CompilerParams(use_tc_tiling_on_sc=False),
        scratch_types=[
            pltpu.VMEM((CH,), jnp.int32),
            pltpu.VMEM((CH,), jnp.int32),
            pltpu.VMEM((CH * L,), jnp.int32),
            pltpu.VMEM((CH * L,), jnp.float32),
            pltpu.VMEM((NB * NUM + L,), jnp.float32),
            pltpu.VMEM((NB * OW + L,), jnp.float32),
            pltpu.SemaphoreType.DMA,
        ],
    )
    def k(cat_hbm, foffs_hbm, numf_hbm, tabw_hbm, out_hbm,
          idx_v, foffs_v, widx_v, gath_v, num_v, outrow_v, sem):
        wid = lax.axis_index("s") * NC + lax.axis_index("c")
        tile_rbase = wid * per_w
        tile_bbase = wid * per_wb
        pltpu.sync_copy(foffs_hbm, foffs_v)
        zero16 = jnp.zeros((L,), jnp.float32)
        dtimesv = lax.iota(jnp.int32, L) * jnp.int32(V)

        def chunk(c, carry):
            rbase = tile_rbase + c * CH
            b0 = tile_bbase + c * NB
            pltpu.sync_copy(cat_hbm.at[pl.ds(rbase, CH)], idx_v)
            pltpu.sync_copy(
                numf_hbm.at[pl.ds(b0 * NUM, NB * NUM)],
                num_v.at[pl.ds(0, NB * NUM)],
            )

            def mkwidx(g, c2):
                base16 = idx_v[pl.ds(g * L, L)] + foffs_v[pl.ds(g * L, L)]
                for j in range(L):
                    r = g * L + j
                    widx_v[pl.ds(r * L, L)] = base16[j] + dtimesv
                return c2

            lax.fori_loop(0, ngrp, mkwidx, 0)
            NSTR = 8
            seg = (CH * L) // NSTR
            gcps = [
                pltpu.async_copy(
                    tabw_hbm.at[widx_v.at[pl.ds(s * seg, seg)]],
                    gath_v.at[pl.ds(s * seg, seg)],
                    sem,
                )
                for s in range(NSTR)
            ]

            def nump(b, c2):
                n16 = num_v[pl.ds(b * NUM, L)]
                outrow_v[pl.ds(b * OW + F * D, L)] = n16
                return c2

            lax.fori_loop(0, NB, nump, 0)
            for gcp in gcps:
                gcp.wait()

            def rp(g, c2):
                i16 = idx_v[pl.ds(g * L, L)]
                for j in range(L):
                    r = g * L + j
                    b = r // F
                    f = r - b * F
                    val = jnp.where(
                        i16[j] == 0, zero16, gath_v[pl.ds(r * L, L)])
                    outrow_v[pl.ds(b * OW + f * D, L)] = val
                return c2

            lax.fori_loop(0, ngrp, rp, 0)
            pltpu.sync_copy(
                outrow_v.at[pl.ds(0, NB * OW)],
                out_hbm.at[pl.ds(b0 * OW, NB * OW)],
            )
            return carry

        lax.fori_loop(0, nchunk, chunk, 0)

    return k


def kernel(numerical, categorical, tables):
    B, NUM = numerical.shape
    _, F = categorical.shape
    _, V, D = tables.shape
    CH = NB * F

    cat_flat = categorical.reshape(B * F)
    foffs = (jnp.arange(CH, dtype=jnp.int32) % F) * (D * V)
    numf = numerical.reshape(B * NUM)
    tabw = jnp.swapaxes(tables, 1, 2).reshape(F * D * V)

    out = _make_kernel(B, F, V, D, NUM)(cat_flat, foffs, numf, tabw)
    return out.reshape(B, F * D + NUM)

# --- scband reference (transcript-rebuilt; emitter-appended) ---
"""Pipeline reference for scband-embedding-layer-86844238725598 (READ-ONLY COPY).

The authoritative reference and input builder live on the scoring server;
editing this copy changes nothing except your own understanding.
"""

import jax, jax.numpy as jnp
import numpy as np

B = 16384
F = 26
V = 100001  # cardinality + 1 (padding row 0)
D = 16
NUM = 13


def setup_inputs(seed: int = 0) -> dict:
    key = jax.random.key(seed)
    k1, k2, k3 = jax.random.split(key, 3)
    numerical = jax.random.normal(k1, (B, NUM), dtype=jnp.float32)
    categorical = jax.random.randint(k2, (B, F), 0, 100000, dtype=jnp.int32)
    # All 26 embedding tables have identical shape -> stack into one tensor [F, V, D].
    # Columns correspond to sorted(cat_cols); since all dims/vocabs are equal the
    # math is identical regardless of column ordering.
    tables = jax.random.normal(k3, (F, V, D), dtype=jnp.float32) * 0.01
    return {"numerical": numerical, "categorical": categorical, "tables": tables}


def reference(numerical, categorical, tables):
    # padding_idx=0: row 0 of each table is forced to zero (as in nn.Embedding)
    t = tables.at[:, 0, :].set(0.0)
    # per-field gather: emb[f] = t[f][categorical[:, f]] -> [F, B, D]
    emb = jax.vmap(lambda tab, idx: jnp.take(tab, idx, axis=0), in_axes=(0, 1))(t, categorical)
    # concat embeddings field-by-field along dim 1 -> [B, F*D]
    emb_concat = jnp.transpose(emb, (1, 0, 2)).reshape(numerical.shape[0], F * D)
    # x0 = concat(embeddings, numerical) -> [B, F*D + NUM]
    x0 = jnp.concatenate([emb_concat, numerical], axis=1)
    return x0

if __name__ == "__main__":
    import jax
    _d = setup_inputs()
    print(jax.jit(kernel)(*tuple(_d.values())))

</pallas_src>

<mosaic_0001>
#map = affine_map<(d0, d1) -> (0)>
module attributes {stable_mosaic.version = 14 : i64} {
  func.func @k(%arg0: i32, %arg1: i32, %arg2: memref<425984xi32, #tpu.memory_space<hbm>>, %arg3: memref<1664xi32, #tpu.memory_space<hbm>>, %arg4: memref<212992xf32, #tpu.memory_space<hbm>>, %arg5: memref<41600416xf32, #tpu.memory_space<hbm>>, %arg6: memref<7028736xf32, #tpu.memory_space<hbm>>, %arg7: memref<1664xi32, #tpu.memory_space<vmem>>, %arg8: memref<1664xi32, #tpu.memory_space<vmem>>, %arg9: memref<26624xi32, #tpu.memory_space<vmem>>, %arg10: memref<26624xf32, #tpu.memory_space<vmem>>, %arg11: memref<848xf32, #tpu.memory_space<vmem>>, %arg12: memref<27472xf32, #tpu.memory_space<vmem>>, %arg13: memref<!tpu.dma_semaphore, #tpu.memory_space<semaphore_mem>>) attributes {dimension_semantics = [#tpu.dimension_semantics<core_parallel>, #tpu.dimension_semantics<subcore_parallel>], iteration_bounds = array<i64: 2, 16>, scalar_prefetch = 0 : i64, scratch_operands = 7 : i64, tpu.core_type = #tpu.core_type<sc_vector_subcore>, window_params = [{transform_indices = #map}, {transform_indices = #map}, {transform_indices = #map}, {transform_indices = #map}, {transform_indices = #map}]} {
    %mul3A = arith.constant 2 : i32
    %mul3A_0 = arith.muli %arg1, %mul3A : i32
    %add3A = arith.addi %mul3A_0, %arg0 : i32
    %mul3A_1 = arith.constant 13312 : i32
    %mul3A_2 = arith.muli %add3A, %mul3A_1 : i32
    %mul3A_3 = arith.constant 512 : i32
    %mul3A_4 = arith.muli %add3A, %mul3A_3 : i32
    "tpu.region"() ({
      %run_scoped3A = tpu.sem_alloc : memref<!tpu.dma_semaphore, #tpu.memory_space<semaphore_mem>>
      tpu.enqueue_dma source(%arg3 : memref<1664xi32, #tpu.memory_space<hbm>>) target(%arg8 : memref<1664xi32, #tpu.memory_space<vmem>>) target_semaphore(%run_scoped3A : memref<!tpu.dma_semaphore, #tpu.memory_space<semaphore_mem>>)
      tpu.wait_dma2 semaphore(%run_scoped3A : memref<!tpu.dma_semaphore, #tpu.memory_space<semaphore_mem>>) src(%arg3 : memref<1664xi32, #tpu.memory_space<hbm>>) dst(%arg8 : memref<1664xi32, #tpu.memory_space<vmem>>)
      tpu.yield
    }) : () -> ()
    %broadcast_in_dim3A = arith.constant 0.000000e+00 : f32
    %broadcast_in_dim3A_5 = vector.broadcast %broadcast_in_dim3A : f32 to vector<16xf32>
    %iota3A = tpu.iota {dimensions = array<i32: 0>} : vector<16xi32>
    %mul3A_6 = arith.constant 100001 : i32
    %mul3A_7 = vector.broadcast %mul3A_6 : i32 to vector<16xi32>
    %mul3A_8 = arith.muli %iota3A, %mul3A_7 : vector<16xi32>
    %scan3A = arith.constant 0 : i32
    %scan3A_9 = arith.constant 0 : i32
    %scan3A_10 = arith.constant 8 : i32
    %scan3A_11 = arith.addi %scan3A_9, %scan3A_10 : i32
    %scan3A_12 = arith.constant 1 : i32
    scf.for %scan3A_14 = %scan3A_9 to %scan3A_11 step %scan3A_12  : i32 {
      %mul3A_15 = arith.constant 1664 : i32
      %mul3A_16 = arith.muli %scan3A_14, %mul3A_15 : i32
      %add3A_17 = arith.addi %mul3A_2, %mul3A_16 : i32
      %mul3A_18 = arith.constant 64 : i32
      %mul3A_19 = arith.muli %scan3A_14, %mul3A_18 : i32
      %add3A_20 = arith.addi %mul3A_4, %mul3A_19 : i32
      "tpu.region"() ({
        %run_scoped3A = tpu.sem_alloc : memref<!tpu.dma_semaphore, #tpu.memory_space<semaphore_mem>>
        %dma_start3A_137 = tpu.memref_slice %arg2[%add3A_17] : memref<425984xi32, #tpu.memory_space<hbm>> -> memref<1664xi32, #tpu.memory_space<hbm>>
        %dma_start3A_138 = tpu.memref_slice %arg2[%add3A_17] : memref<425984xi32, #tpu.memory_space<hbm>> -> memref<1664xi32, #tpu.memory_space<hbm>>
        tpu.enqueue_dma source(%dma_start3A_138 : memref<1664xi32, #tpu.memory_space<hbm>>) target(%arg7 : memref<1664xi32, #tpu.memory_space<vmem>>) target_semaphore(%run_scoped3A : memref<!tpu.dma_semaphore, #tpu.memory_space<semaphore_mem>>)
        %dma_wait3A_139 = tpu.memref_slice %arg2[%add3A_17] : memref<425984xi32, #tpu.memory_space<hbm>> -> memref<1664xi32, #tpu.memory_space<hbm>>
        %dma_wait3A_140 = tpu.memref_slice %arg2[%add3A_17] : memref<425984xi32, #tpu.memory_space<hbm>> -> memref<1664xi32, #tpu.memory_space<hbm>>
        tpu.wait_dma2 semaphore(%run_scoped3A : memref<!tpu.dma_semaphore, #tpu.memory_space<semaphore_mem>>) src(%dma_wait3A_140 : memref<1664xi32, #tpu.memory_space<hbm>>) dst(%arg7 : memref<1664xi32, #tpu.memory_space<vmem>>)
        tpu.yield
      }) : () -> ()
      %mul3A_21 = arith.constant 13 : i32
      %mul3A_22 = arith.muli %add3A_20, %mul3A_21 : i32
      "tpu.region"() ({
        %run_scoped3A = tpu.sem_alloc : memref<!tpu.dma_semaphore, #tpu.memory_space<semaphore_mem>>
        %dma_start3A_137 = arith.constant 0 : i32
        %dma_start3A_138 = tpu.memref_slice %arg11[%dma_start3A_137] : memref<848xf32, #tpu.memory_space<vmem>> -> memref<832xf32, #tpu.memory_space<vmem>>
        %dma_start3A_139 = tpu.memref_slice %arg4[%mul3A_22] : memref<212992xf32, #tpu.memory_space<hbm>> -> memref<832xf32, #tpu.memory_space<hbm>>
        %dma_start3A_140 = arith.constant 0 : i32
        %dma_start3A_141 = tpu.memref_slice %arg11[%dma_start3A_140] : memref<848xf32, #tpu.memory_space<vmem>> -> memref<832xf32, #tpu.memory_space<vmem>>
        %dma_start3A_142 = tpu.memref_slice %arg4[%mul3A_22] : memref<212992xf32, #tpu.memory_space<hbm>> -> memref<832xf32, #tpu.memory_space<hbm>>
        tpu.enqueue_dma source(%dma_start3A_142 : memref<832xf32, #tpu.memory_space<hbm>>) target(%dma_start3A_141 : memref<832xf32, #tpu.memory_space<vmem>>) target_semaphore(%run_scoped3A : memref<!tpu.dma_semaphore, #tpu.memory_space<semaphore_mem>>)
        %dma_wait3A_143 = arith.constant 0 : i32
        %dma_wait3A_144 = tpu.memref_slice %arg11[%dma_wait3A_143] : memref<848xf32, #tpu.memory_space<vmem>> -> memref<832xf32, #tpu.memory_space<vmem>>
        %dma_wait3A_145 = tpu.memref_slice %arg4[%mul3A_22] : memref<212992xf32, #tpu.memory_space<hbm>> -> memref<832xf32, #tpu.memory_space<hbm>>
        %dma_wait3A_146 = arith.constant 0 : i32
        %dma_wait3A_147 = tpu.memref_slice %arg11[%dma_wait3A_146] : memref<848xf32, #tpu.memory_space<vmem>> -> memref<832xf32, #tpu.memory_space<vmem>>
        %dma_wait3A_148 = tpu.memref_slice %arg4[%mul3A_22] : memref<212992xf32, #tpu.memory_space<hbm>> -> memref<832xf32, #tpu.memory_space<hbm>>
        tpu.wait_dma2 semaphore(%run_scoped3A : memref<!tpu.dma_semaphore, #tpu.memory_space<semaphore_mem>>) src(%dma_wait3A_148 : memref<832xf32, #tpu.memory_space<hbm>>) dst(%dma_wait3A_147 : memref<832xf32, #tpu.memory_space<vmem>>)
        tpu.yield
      }) : () -> ()
      %scan3A_23 = arith.constant 0 : i32
      %scan3A_24 = arith.constant 0 : i32
      %scan3A_25 = arith.constant 104 : i32
      %scan3A_26 = arith.addi %scan3A_24, %scan3A_25 : i32
      %scan3A_27 = arith.constant 1 : i32
      scf.for %scan3A_137 = %scan3A_24 to %scan3A_26 step %scan3A_27  : i32 {
        %mul3A_138 = arith.constant 16 : i32
        %mul3A_139 = arith.muli %scan3A_137, %mul3A_138 : i32
        %get3A = arith.index_cast %mul3A_139 : i32 to index
        %get3A_140 = tpu.vector_load %arg7[%get3A] {strides = array<i32>} : memref<1664xi32, #tpu.memory_space<vmem>>, vector<16xi32>,
        %get3A_141 = vector.shape_cast %get3A_140 : vector<16xi32> to vector<16xi32>
        %mul3A_142 = arith.constant 16 : i32
        %mul3A_143 = arith.muli %scan3A_137, %mul3A_142 : i32
        %get3A_144 = arith.index_cast %mul3A_143 : i32 to index
        %get3A_145 = tpu.vector_load %arg8[%get3A_144] {strides = array<i32>} : memref<1664xi32, #tpu.memory_space<vmem>>, vector<16xi32>,
        %get3A_146 = vector.shape_cast %get3A_145 : vector<16xi32> to vector<16xi32>
        %add3A_147 = arith.addi %get3A_141, %get3A_146 : vector<16xi32>
        %mul3A_148 = arith.constant 16 : i32
        %mul3A_149 = arith.muli %scan3A_137, %mul3A_148 : i32
        %add3A_150 = arith.constant 0 : i32
        %add3A_151 = arith.addi %mul3A_149, %add3A_150 : i32
        %slice3A = vector.extract_strided_slice %add3A_147 {offsets = [0], sizes = [1], strides = [1]} : vector<16xi32> to vector<1xi32>
        %squeeze3A = vector.extract %slice3A[0] : i32 from vector<1xi32>
        %add3A_152 = vector.broadcast %squeeze3A : i32 to vector<16xi32>
        %add3A_153 = arith.addi %add3A_152, %mul3A_8 : vector<16xi32>
        %mul3A_154 = arith.constant 16 : i32
        %mul3A_155 = arith.muli %add3A_151, %mul3A_154 : i32
        %swap3A = arith.index_cast %mul3A_155 : i32 to index
        %swap3A_156 = tpu.vector_load %arg9[%swap3A] {strides = array<i32>} : memref<26624xi32, #tpu.memory_space<vmem>>, vector<16xi32>,
        %swap3A_157 = vector.shape_cast %swap3A_156 : vector<16xi32> to vector<16xi32>
        %swap3A_158 = vector.shape_cast %add3A_153 : vector<16xi32> to vector<16xi32>
        tpu.vector_store %arg9[%swap3A], %swap3A_158 {strides = array<i32>} : memref<26624xi32, #tpu.memory_space<vmem>>, vector<16xi32>,
        %mul3A_159 = arith.constant 16 : i32
        %mul3A_160 = arith.muli %scan3A_137, %mul3A_159 : i32
        %add3A_161 = arith.constant 1 : i32
        %add3A_162 = arith.addi %mul3A_160, %add3A_161 : i32
        %slice3A_163 = vector.extract_strided_slice %add3A_147 {offsets = [1], sizes = [1], strides = [1]} : vector<16xi32> to vector<1xi32>
        %squeeze3A_164 = vector.extract %slice3A_163[0] : i32 from vector<1xi32>
        %add3A_165 = vector.broadcast %squeeze3A_164 : i32 to vector<16xi32>
        %add3A_166 = arith.addi %add3A_165, %mul3A_8 : vector<16xi32>
        %mul3A_167 = arith.constant 16 : i32
        %mul3A_168 = arith.muli %add3A_162, %mul3A_167 : i32
        %swap3A_169 = arith.index_cast %mul3A_168 : i32 to index
        %swap3A_170 = tpu.vector_load %arg9[%swap3A_169] {strides = array<i32>} : memref<26624xi32, #tpu.memory_space<vmem>>, vector<16xi32>,
        %swap3A_171 = vector.shape_cast %swap3A_170 : vector<16xi32> to vector<16xi32>
        %swap3A_172 = vector.shape_cast %add3A_166 : vector<16xi32> to vector<16xi32>
        tpu.vector_store %arg9[%swap3A_169], %swap3A_172 {strides = array<i32>} : memref<26624xi32, #tpu.memory_space<vmem>>, vector<16xi32>,
        %mul3A_173 = arith.constant 16 : i32
        %mul3A_174 = arith.muli %scan3A_137, %mul3A_173 : i32
        %add3A_175 = arith.constant 2 : i32
        %add3A_176 = arith.addi %mul3A_174, %add3A_175 : i32
        %slice3A_177 = vector.extract_strided_slice %add3A_147 {offsets = [2], sizes = [1], strides = [1]} : vector<16xi32> to vector<1xi32>
        %squeeze3A_178 = vector.extract %slice3A_177[0] : i32 from vector<1xi32>
        %add3A_179 = vector.broadcast %squeeze3A_178 : i32 to vector<16xi32>
        %add3A_180 = arith.addi %add3A_179, %mul3A_8 : vector<16xi32>
        %mul3A_181 = arith.constant 16 : i32
        %mul3A_182 = arith.muli %add3A_176, %mul3A_181 : i32
        %swap3A_183 = arith.index_cast %mul3A_182 : i32 to index
        %swap3A_184 = tpu.vector_load %arg9[%swap3A_183] {strides = array<i32>} : memref<26624xi32, #tpu.memory_space<vmem>>, vector<16xi32>,
        %swap3A_185 = vector.shape_cast %swap3A_184 : vector<16xi32> to vector<16xi32>
        %swap3A_186 = vector.shape_cast %add3A_180 : vector<16xi32> to vector<16xi32>
        tpu.vector_store %arg9[%swap3A_183], %swap3A_186 {strides = array<i32>} : memref<26624xi32, #tpu.memory_space<vmem>>, vector<16xi32>,
        %mul3A_187 = arith.constant 16 : i32
        %mul3A_188 = arith.muli %scan3A_137, %mul3A_187 : i32
        %add3A_189 = arith.constant 3 : i32
        %add3A_190 = arith.addi %mul3A_188, %add3A_189 : i32
        %slice3A_191 = vector.extract_strided_slice %add3A_147 {offsets = [3], sizes = [1], strides = [1]} : vector<16xi32> to vector<1xi32>
        %squeeze3A_192 = vector.extract %slice3A_191[0] : i32 from vector<1xi32>
        %add3A_193 = vector.broadcast %squeeze3A_192 : i32 to vector<16xi32>
        %add3A_194 = arith.addi %add3A_193, %mul3A_8 : vector<16xi32>
        %mul3A_195 = arith.constant 16 : i32
        %mul3A_196 = arith.muli %add3A_190, %mul3A_195 : i32
        %swap3A_197 = arith.index_cast %mul3A_196 : i32 to index
        %swap3A_198 = tpu.vector_load %arg9[%swap3A_197] {strides = array<i32>} : memref<26624xi32, #tpu.memory_space<vmem>>, vector<16xi32>,
        %swap3A_199 = vector.shape_cast %swap3A_198 : vector<16xi32> to vector<16xi32>
        %swap3A_200 = vector.shape_cast %add3A_194 : vector<16xi32> to vector<16xi32>
        tpu.vector_store %arg9[%swap3A_197], %swap3A_200 {strides = array<i32>} : memref<26624xi32, #tpu.memory_space<vmem>>, vector<16xi32>,
        %mul3A_201 = arith.constant 16 : i32
        %mul3A_202 = arith.muli %scan3A_137, %mul3A_201 : i32
        %add3A_203 = arith.constant 4 : i32
        %add3A_204 = arith.addi %mul3A_202, %add3A_203 : i32
        %slice3A_205 = vector.extract_strided_slice %add3A_147 {offsets = [4], sizes = [1], strides = [1]} : vector<16xi32> to vector<1xi32>
        %squeeze3A_206 = vector.extract %slice3A_205[0] : i32 from vector<1xi32>
        %add3A_207 = vector.broadcast %squeeze3A_206 : i32 to vector<16xi32>
        %add3A_208 = arith.addi %add3A_207, %mul3A_8 : vector<16xi32>
        %mul3A_209 = arith.constant 16 : i32
        %mul3A_210 = arith.muli %add3A_204, %mul3A_209 : i32
        %swap3A_211 = arith.index_cast %mul3A_210 : i32 to index
        %swap3A_212 = tpu.vector_load %arg9[%swap3A_211] {strides = array<i32>} : memref<26624xi32, #tpu.memory_space<vmem>>, vector<16xi32>,
        %swap3A_213 = vector.shape_cast %swap3A_212 : vector<16xi32> to vector<16xi32>
        %swap3A_214 = vector.shape_cast %add3A_208 : vector<16xi32> to vector<16xi32>
        tpu.vector_store %arg9[%swap3A_211], %swap3A_214 {strides = array<i32>} : memref<26624xi32, #tpu.memory_space<vmem>>, vector<16xi32>,
        %mul3A_215 = arith.constant 16 : i32
        %mul3A_216 = arith.muli %scan3A_137, %mul3A_215 : i32
        %add3A_217 = arith.constant 5 : i32
        %add3A_218 = arith.addi %mul3A_216, %add3A_217 : i32
        %slice3A_219 = vector.extract_strided_slice %add3A_147 {offsets = [5], sizes = [1], strides = [1]} : vector<16xi32> to vector<1xi32>
        %squeeze3A_220 = vector.extract %slice3A_219[0] : i32 from vector<1xi32>
        %add3A_221 = vector.broadcast %squeeze3A_220 : i32 to vector<16xi32>
        %add3A_222 = arith.addi %add3A_221, %mul3A_8 : vector<16xi32>
        %mul3A_223 = arith.constant 16 : i32
        %mul3A_224 = arith.muli %add3A_218, %mul3A_223 : i32
        %swap3A_225 = arith.index_cast %mul3A_224 : i32 to index
        %swap3A_226 = tpu.vector_load %arg9[%swap3A_225] {strides = array<i32>} : memref<26624xi32, #tpu.memory_space<vmem>>, vector<16xi32>,
        %swap3A_227 = vector.shape_cast %swap3A_226 : vector<16xi32> to vector<16xi32>
        %swap3A_228 = vector.shape_cast %add3A_222 : vector<16xi32> to vector<16xi32>
        tpu.vector_store %arg9[%swap3A_225], %swap3A_228 {strides = array<i32>} : memref<26624xi32, #tpu.memory_space<vmem>>, vector<16xi32>,
        %mul3A_229 = arith.constant 16 : i32
        %mul3A_230 = arith.muli %scan3A_137, %mul3A_229 : i32
        %add3A_231 = arith.constant 6 : i32
        %add3A_232 = arith.addi %mul3A_230, %add3A_231 : i32
        %slice3A_233 = vector.extract_strided_slice %add3A_147 {offsets = [6], sizes = [1], strides = [1]} : vector<16xi32> to vector<1xi32>
        %squeeze3A_234 = vector.extract %slice3A_233[0] : i32 from vector<1xi32>
        %add3A_235 = vector.broadcast %squeeze3A_234 : i32 to vector<16xi32>
        %add3A_236 = arith.addi %add3A_235, %mul3A_8 : vector<16xi32>
        %mul3A_237 = arith.constant 16 : i32
        %mul3A_238 = arith.muli %add3A_232, %mul3A_237 : i32
        %swap3A_239 = arith.index_cast %mul3A_238 : i32 to index
        %swap3A_240 = tpu.vector_load %arg9[%swap3A_239] {strides = array<i32>} : memref<26624xi32, #tpu.memory_space<vmem>>, vector<16xi32>,
        %swap3A_241 = vector.shape_cast %swap3A_240 : vector<16xi32> to vector<16xi32>
        %swap3A_242 = vector.shape_cast %add3A_236 : vector<16xi32> to vector<16xi32>
        tpu.vector_store %arg9[%swap3A_239], %swap3A_242 {strides = array<i32>} : memref<26624xi32, #tpu.memory_space<vmem>>, vector<16xi32>,
        %mul3A_243 = arith.constant 16 : i32
        %mul3A_244 = arith.muli %scan3A_137, %mul3A_243 : i32
        %add3A_245 = arith.constant 7 : i32
        %add3A_246 = arith.addi %mul3A_244, %add3A_245 : i32
        %slice3A_247 = vector.extract_strided_slice %add3A_147 {offsets = [7], sizes = [1], strides = [1]} : vector<16xi32> to vector<1xi32>
        %squeeze3A_248 = vector.extract %slice3A_247[0] : i32 from vector<1xi32>
        %add3A_249 = vector.broadcast %squeeze3A_248 : i32 to vector<16xi32>
        %add3A_250 = arith.addi %add3A_249, %mul3A_8 : vector<16xi32>
        %mul3A_251 = arith.constant 16 : i32
        %mul3A_252 = arith.muli %add3A_246, %mul3A_251 : i32
        %swap3A_253 = arith.index_cast %mul3A_252 : i32 to index
        %swap3A_254 = tpu.vector_load %arg9[%swap3A_253] {strides = array<i32>} : memref<26624xi32, #tpu.memory_space<vmem>>, vector<16xi32>,
        %swap3A_255 = vector.shape_cast %swap3A_254 : vector<16xi32> to vector<16xi32>
        %swap3A_256 = vector.shape_cast %add3A_250 : vector<16xi32> to vector<16xi32>
        tpu.vector_store %arg9[%swap3A_253], %swap3A_256 {strides = array<i32>} : memref<26624xi32, #tpu.memory_space<vmem>>, vector<16xi32>,
        %mul3A_257 = arith.constant 16 : i32
        %mul3A_258 = arith.muli %scan3A_137, %mul3A_257 : i32
        %add3A_259 = arith.constant 8 : i32
        %add3A_260 = arith.addi %mul3A_258, %add3A_259 : i32
        %slice3A_261 = vector.extract_strided_slice %add3A_147 {offsets = [8], sizes = [1], strides = [1]} : vector<16xi32> to vector<1xi32>
        %squeeze3A_262 = vector.extract %slice3A_261[0] : i32 from vector<1xi32>
        %add3A_263 = vector.broadcast %squeeze3A_262 : i32 to vector<16xi32>
        %add3A_264 = arith.addi %add3A_263, %mul3A_8 : vector<16xi32>
        %mul3A_265 = arith.constant 16 : i32
        %mul3A_266 = arith.muli %add3A_260, %mul3A_265 : i32
        %swap3A_267 = arith.index_cast %mul3A_266 : i32 to index
        %swap3A_268 = tpu.vector_load %arg9[%swap3A_267] {strides = array<i32>} : memref<26624xi32, #tpu.memory_space<vmem>>, vector<16xi32>,
        %swap3A_269 = vector.shape_cast %swap3A_268 : vector<16xi32> to vector<16xi32>
        %swap3A_270 = vector.shape_cast %add3A_264 : vector<16xi32> to vector<16xi32>
        tpu.vector_store %arg9[%swap3A_267], %swap3A_270 {strides = array<i32>} : memref<26624xi32, #tpu.memory_space<vmem>>, vector<16xi32>,
        %mul3A_271 = arith.constant 16 : i32
        %mul3A_272 = arith.muli %scan3A_137, %mul3A_271 : i32
        %add3A_273 = arith.constant 9 : i32
        %add3A_274 = arith.addi %mul3A_272, %add3A_273 : i32
        %slice3A_275 = vector.extract_strided_slice %add3A_147 {offsets = [9], sizes = [1], strides = [1]} : vector<16xi32> to vector<1xi32>
        %squeeze3A_276 = vector.extract %slice3A_275[0] : i32 from vector<1xi32>
        %add3A_277 = vector.broadcast %squeeze3A_276 : i32 to vector<16xi32>
        %add3A_278 = arith.addi %add3A_277, %mul3A_8 : vector<16xi32>
        %mul3A_279 = arith.constant 16 : i32
        %mul3A_280 = arith.muli %add3A_274, %mul3A_279 : i32
        %swap3A_281 = arith.index_cast %mul3A_280 : i32 to index
        %swap3A_282 = tpu.vector_load %arg9[%swap3A_281] {strides = array<i32>} : memref<26624xi32, #tpu.memory_space<vmem>>, vector<16xi32>,
        %swap3A_283 = vector.shape_cast %swap3A_282 : vector<16xi32> to vector<16xi32>
        %swap3A_284 = vector.shape_cast %add3A_278 : vector<16xi32> to vector<16xi32>
        tpu.vector_store %arg9[%swap3A_281], %swap3A_284 {strides = array<i32>} : memref<26624xi32, #tpu.memory_space<vmem>>, vector<16xi32>,
        %mul3A_285 = arith.constant 16 : i32
        %mul3A_286 = arith.muli %scan3A_137, %mul3A_285 : i32
        %add3A_287 = arith.constant 10 : i32
        %add3A_288 = arith.addi %mul3A_286, %add3A_287 : i32
        %slice3A_289 = vector.extract_strided_slice %add3A_147 {offsets = [10], sizes = [1], strides = [1]} : vector<16xi32> to vector<1xi32>
        %squeeze3A_290 = vector.extract %slice3A_289[0] : i32 from vector<1xi32>
        %add3A_291 = vector.broadcast %squeeze3A_290 : i32 to vector<16xi32>
        %add3A_292 = arith.addi %add3A_291, %mul3A_8 : vector<16xi32>
        %mul3A_293 = arith.constant 16 : i32
        %mul3A_294 = arith.muli %add3A_288, %mul3A_293 : i32
        %swap3A_295 = arith.index_cast %mul3A_294 : i32 to index
        %swap3A_296 = tpu.vector_load %arg9[%swap3A_295] {strides = array<i32>} : memref<26624xi32, #tpu.memory_space<vmem>>, vector<16xi32>,
        %swap3A_297 = vector.shape_cast %swap3A_296 : vector<16xi32> to vector<16xi32>
        %swap3A_298 = vector.shape_cast %add3A_292 : vector<16xi32> to vector<16xi32>
        tpu.vector_store %arg9[%swap3A_295], %swap3A_298 {strides = array<i32>} : memref<26624xi32, #tpu.memory_space<vmem>>, vector<16xi32>,
        %mul3A_299 = arith.constant 16 : i32
        %mul3A_300 = arith.muli %scan3A_137, %mul3A_299 : i32
        %add3A_301 = arith.constant 11 : i32
        %add3A_302 = arith.addi %mul3A_300, %add3A_301 : i32
        %slice3A_303 = vector.extract_strided_slice %add3A_147 {offsets = [11], sizes = [1], strides = [1]} : vector<16xi32> to vector<1xi32>
        %squeeze3A_304 = vector.extract %slice3A_303[0] : i32 from vector<1xi32>
        %add3A_305 = vector.broadcast %squeeze3A_304 : i32 to vector<16xi32>
        %add3A_306 = arith.addi %add3A_305, %mul3A_8 : vector<16xi32>
        %mul3A_307 = arith.constant 16 : i32
        %mul3A_308 = arith.muli %add3A_302, %mul3A_307 : i32
        %swap3A_309 = arith.index_cast %mul3A_308 : i32 to index
        %swap3A_310 = tpu.vector_load %arg9[%swap3A_309] {strides = array<i32>} : memref<26624xi32, #tpu.memory_space<vmem>>, vector<16xi32>,
        %swap3A_311 = vector.shape_cast %swap3A_310 : vector<16xi32> to vector<16xi32>
        %swap3A_312 = vector.shape_cast %add3A_306 : vector<16xi32> to vector<16xi32>
        tpu.vector_store %arg9[%swap3A_309], %swap3A_312 {strides = array<i32>} : memref<26624xi32, #tpu.memory_space<vmem>>, vector<16xi32>,
        %mul3A_313 = arith.constant 16 : i32
        %mul3A_314 = arith.muli %scan3A_137, %mul3A_313 : i32
        %add3A_315 = arith.constant 12 : i32
        %add3A_316 = arith.addi %mul3A_314, %add3A_315 : i32
        %slice3A_317 = vector.extract_strided_slice %add3A_147 {offsets = [12], sizes = [1], strides = [1]} : vector<16xi32> to vector<1xi32>
        %squeeze3A_318 = vector.extract %slice3A_317[0] : i32 from vector<1xi32>
        %add3A_319 = vector.broadcast %squeeze3A_318 : i32 to vector<16xi32>
        %add3A_320 = arith.addi %add3A_319, %mul3A_8 : vector<16xi32>
        %mul3A_321 = arith.constant 16 : i32
        %mul3A_322 = arith.muli %add3A_316, %mul3A_321 : i32
        %swap3A_323 = arith.index_cast %mul3A_322 : i32 to index
        %swap3A_324 = tpu.vector_load %arg9[%swap3A_323] {strides = array<i32>} : memref<26624xi32, #tpu.memory_space<vmem>>, vector<16xi32>,
        %swap3A_325 = vector.shape_cast %swap3A_324 : vector<16xi32> to vector<16xi32>
        %swap3A_326 = vector.shape_cast %add3A_320 : vector<16xi32> to vector<16xi32>
        tpu.vector_store %arg9[%swap3A_323], %swap3A_326 {strides = array<i32>} : memref<26624xi32, #tpu.memory_space<vmem>>, vector<16xi32>,
        %mul3A_327 = arith.constant 16 : i32
        %mul3A_328 = arith.muli %scan3A_137, %mul3A_327 : i32
        %add3A_329 = arith.constant 13 : i32
        %add3A_330 = arith.addi %mul3A_328, %add3A_329 : i32
        %slice3A_331 = vector.extract_strided_slice %add3A_147 {offsets = [13], sizes = [1], strides = [1]} : vector<16xi32> to vector<1xi32>
        %squeeze3A_332 = vector.extract %slice3A_331[0] : i32 from vector<1xi32>
        %add3A_333 = vector.broadcast %squeeze3A_332 : i32 to vector<16xi32>
        %add3A_334 = arith.addi %add3A_333, %mul3A_8 : vector<16xi32>
        %mul3A_335 = arith.constant 16 : i32
        %mul3A_336 = arith.muli %add3A_330, %mul3A_335 : i32
        %swap3A_337 = arith.index_cast %mul3A_336 : i32 to index
        %swap3A_338 = tpu.vector_load %arg9[%swap3A_337] {strides = array<i32>} : memref<26624xi32, #tpu.memory_space<vmem>>, vector<16xi32>,
        %swap3A_339 = vector.shape_cast %swap3A_338 : vector<16xi32> to vector<16xi32>
        %swap3A_340 = vector.shape_cast %add3A_334 : vector<16xi32> to vector<16xi32>
        tpu.vector_store %arg9[%swap3A_337], %swap3A_340 {strides = array<i32>} : memref<26624xi32, #tpu.memory_space<vmem>>, vector<16xi32>,
        %mul3A_341 = arith.constant 16 : i32
        %mul3A_342 = arith.muli %scan3A_137, %mul3A_341 : i32
        %add3A_343 = arith.constant 14 : i32
        %add3A_344 = arith.addi %mul3A_342, %add3A_343 : i32
        %slice3A_345 = vector.extract_strided_slice %add3A_147 {offsets = [14], sizes = [1], strides = [1]} : vector<16xi32> to vector<1xi32>
        %squeeze3A_346 = vector.extract %slice3A_345[0] : i32 from vector<1xi32>
        %add3A_347 = vector.broadcast %squeeze3A_346 : i32 to vector<16xi32>
        %add3A_348 = arith.addi %add3A_347, %mul3A_8 : vector<16xi32>
        %mul3A_349 = arith.constant 16 : i32
        %mul3A_350 = arith.muli %add3A_344, %mul3A_349 : i32
        %swap3A_351 = arith.index_cast %mul3A_350 : i32 to index
        %swap3A_352 = tpu.vector_load %arg9[%swap3A_351] {strides = array<i32>} : memref<26624xi32, #tpu.memory_space<vmem>>, vector<16xi32>,
        %swap3A_353 = vector.shape_cast %swap3A_352 : vector<16xi32> to vector<16xi32>
        %swap3A_354 = vector.shape_cast %add3A_348 : vector<16xi32> to vector<16xi32>
        tpu.vector_store %arg9[%swap3A_351], %swap3A_354 {strides = array<i32>} : memref<26624xi32, #tpu.memory_space<vmem>>, vector<16xi32>,
        %mul3A_355 = arith.constant 16 : i32
        %mul3A_356 = arith.muli %scan3A_137, %mul3A_355 : i32
        %add3A_357 = arith.constant 15 : i32
        %add3A_358 = arith.addi %mul3A_356, %add3A_357 : i32
        %slice3A_359 = vector.extract_strided_slice %add3A_147 {offsets = [15], sizes = [1], strides = [1]} : vector<16xi32> to vector<1xi32>
        %squeeze3A_360 = vector.extract %slice3A_359[0] : i32 from vector<1xi32>
        %add3A_361 = vector.broadcast %squeeze3A_360 : i32 to vector<16xi32>
        %add3A_362 = arith.addi %add3A_361, %mul3A_8 : vector<16xi32>
        %mul3A_363 = arith.constant 16 : i32
        %mul3A_364 = arith.muli %add3A_358, %mul3A_363 : i32
        %swap3A_365 = arith.index_cast %mul3A_364 : i32 to index
        %swap3A_366 = tpu.vector_load %arg9[%swap3A_365] {strides = array<i32>} : memref<26624xi32, #tpu.memory_space<vmem>>, vector<16xi32>,
        %swap3A_367 = vector.shape_cast %swap3A_366 : vector<16xi32> to vector<16xi32>
        %swap3A_368 = vector.shape_cast %add3A_362 : vector<16xi32> to vector<16xi32>
        tpu.vector_store %arg9[%swap3A_365], %swap3A_368 {strides = array<i32>} : memref<26624xi32, #tpu.memory_space<vmem>>, vector<16xi32>,
      }
      %scan3A_28 = arith.constant 104 : i32
      %dma_start3A = arith.constant 0 : i32
      %dma_start3A_29 = tpu.memref_slice %arg10[%dma_start3A] : memref<26624xf32, #tpu.memory_space<vmem>> -> memref<3328xf32, #tpu.memory_space<vmem>>
      %dma_start3A_30 = arith.constant 0 : i32
      %dma_start3A_31 = tpu.memref_slice %arg9[%dma_start3A_30] : memref<26624xi32, #tpu.memory_space<vmem>> -> memref<3328xi32, #tpu.memory_space<vmem>>
      %dma_start3A_32 = arith.constant 0 : i32
      %dma_start3A_33 = tpu.memref_slice %arg5[%dma_start3A_32] : memref<41600416xf32, #tpu.memory_space<hbm>> -> memref<41600416xf32, #tpu.memory_space<hbm>>
      tpu.enqueue_indirect_dma source(%dma_start3A_33 : memref<41600416xf32, #tpu.memory_space<hbm>>) target(%dma_start3A_29 : memref<3328xf32, #tpu.memory_space<vmem>>) offsets(%dma_start3A_31 : memref<3328xi32, #tpu.memory_space<vmem>>) semaphore(%arg13 : memref<!tpu.dma_semaphore, #tpu.memory_space<semaphore_mem>>)
      %dma_start3A_34 = arith.constant 3328 : i32
      %dma_start3A_35 = tpu.memref_slice %arg10[%dma_start3A_34] : memref<26624xf32, #tpu.memory_space<vmem>> -> memref<3328xf32, #tpu.memory_space<vmem>>
      %dma_start3A_36 = arith.constant 3328 : i32
      %dma_start3A_37 = tpu.memref_slice %arg9[%dma_start3A_36] : memref<26624xi32, #tpu.memory_space<vmem>> -> memref<3328xi32, #tpu.memory_space<vmem>>
      %dma_start3A_38 = arith.constant 0 : i32
      %dma_start3A_39 = tpu.memref_slice %arg5[%dma_start3A_38] : memref<41600416xf32, #tpu.memory_space<hbm>> -> memref<41600416xf32, #tpu.memory_space<hbm>>
      tpu.enqueue_indirect_dma source(%dma_start3A_39 : memref<41600416xf32, #tpu.memory_space<hbm>>) target(%dma_start3A_35 : memref<3328xf32, #tpu.memory_space<vmem>>) offsets(%dma_start3A_37 : memref<3328xi32, #tpu.memory_space<vmem>>) semaphore(%arg13 : memref<!tpu.dma_semaphore, #tpu.memory_space<semaphore_mem>>)
      %dma_start3A_40 = arith.constant 6656 : i32
      %dma_start3A_41 = tpu.memref_slice %arg10[%dma_start3A_40] : memref<26624xf32, #tpu.memory_space<vmem>> -> memref<3328xf32, #tpu.memory_space<vmem>>
      %dma_start3A_42 = arith.constant 6656 : i32
      %dma_start3A_43 = tpu.memref_slice %arg9[%dma_start3A_42] : memref<26624xi32, #tpu.memory_space<vmem>> -> memref<3328xi32, #tpu.memory_space<vmem>>
      %dma_start3A_44 = arith.constant 0 : i32
      %dma_start3A_45 = tpu.memref_slice %arg5[%dma_start3A_44] : memref<41600416xf32, #tpu.memory_space<hbm>> -> memref<41600416xf32, #tpu.memory_space<hbm>>
      tpu.enqueue_indirect_dma source(%dma_start3A_45 : memref<41600416xf32, #tpu.memory_space<hbm>>) target(%dma_start3A_41 : memref<3328xf32, #tpu.memory_space<vmem>>) offsets(%dma_start3A_43 : memref<3328xi32, #tpu.memory_space<vmem>>) semaphore(%arg13 : memref<!tpu.dma_semaphore, #tpu.memory_space<semaphore_mem>>)
      %dma_start3A_46 = arith.constant 9984 : i32
      %dma_start3A_47 = tpu.memref_slice %arg10[%dma_start3A_46] : memref<26624xf32, #tpu.memory_space<vmem>> -> memref<3328xf32, #tpu.memory_space<vmem>>
      %dma_start3A_48 = arith.constant 9984 : i32
      %dma_start3A_49 = tpu.memref_slice %arg9[%dma_start3A_48] : memref<26624xi32, #tpu.memory_space<vmem>> -> memref<3328xi32, #tpu.memory_space<vmem>>
      %dma_start3A_50 = arith.constant 0 : i32
      %dma_start3A_51 = tpu.memref_slice %arg5[%dma_start3A_50] : memref<41600416xf32, #tpu.memory_space<hbm>> -> memref<41600416xf32, #tpu.memory_space<hbm>>
      tpu.enqueue_indirect_dma source(%dma_start3A_51 : memref<41600416xf32, #tpu.memory_space<hbm>>) target(%dma_start3A_47 : memref<3328xf32, #tpu.memory_space<vmem>>) offsets(%dma_start3A_49 : memref<3328xi32, #tpu.memory_space<vmem>>) semaphore(%arg13 : memref<!tpu.dma_semaphore, #tpu.memory_space<semaphore_mem>>)
      %dma_start3A_52 = arith.constant 13312 : i32
      %dma_start3A_53 = tpu.memref_slice %arg10[%dma_start3A_52] : memref<26624xf32, #tpu.memory_space<vmem>> -> memref<3328xf32, #tpu.memory_space<vmem>>
      %dma_start3A_54 = arith.constant 13312 : i32
      %dma_start3A_55 = tpu.memref_slice %arg9[%dma_start3A_54] : memref<26624xi32, #tpu.memory_space<vmem>> -> memref<3328xi32, #tpu.memory_space<vmem>>
      %dma_start3A_56 = arith.constant 0 : i32
      %dma_start3A_57 = tpu.memref_slice %arg5[%dma_start3A_56] : memref<41600416xf32, #tpu.memory_space<hbm>> -> memref<41600416xf32, #tpu.memory_space<hbm>>
      tpu.enqueue_indirect_dma source(%dma_start3A_57 : memref<41600416xf32, #tpu.memory_space<hbm>>) target(%dma_start3A_53 : memref<3328xf32, #tpu.memory_space<vmem>>) offsets(%dma_start3A_55 : memref<3328xi32, #tpu.memory_space<vmem>>) semaphore(%arg13 : memref<!tpu.dma_semaphore, #tpu.memory_space<semaphore_mem>>)
      %dma_start3A_58 = arith.constant 16640 : i32
      %dma_start3A_59 = tpu.memref_slice %arg10[%dma_start3A_58] : memref<26624xf32, #tpu.memory_space<vmem>> -> memref<3328xf32, #tpu.memory_space<vmem>>
      %dma_start3A_60 = arith.constant 16640 : i32
      %dma_start3A_61 = tpu.memref_slice %arg9[%dma_start3A_60] : memref<26624xi32, #tpu.memory_space<vmem>> -> memref<3328xi32, #tpu.memory_space<vmem>>
      %dma_start3A_62 = arith.constant 0 : i32
      %dma_start3A_63 = tpu.memref_slice %arg5[%dma_start3A_62] : memref<41600416xf32, #tpu.memory_space<hbm>> -> memref<41600416xf32, #tpu.memory_space<hbm>>
      tpu.enqueue_indirect_dma source(%dma_start3A_63 : memref<41600416xf32, #tpu.memory_space<hbm>>) target(%dma_start3A_59 : memref<3328xf32, #tpu.memory_space<vmem>>) offsets(%dma_start3A_61 : memref<3328xi32, #tpu.memory_space<vmem>>) semaphore(%arg13 : memref<!tpu.dma_semaphore, #tpu.memory_space<semaphore_mem>>)
      %dma_start3A_64 = arith.constant 19968 : i32
      %dma_start3A_65 = tpu.memref_slice %arg10[%dma_start3A_64] : memref<26624xf32, #tpu.memory_space<vmem>> -> memref<3328xf32, #tpu.memory_space<vmem>>
      %dma_start3A_66 = arith.constant 19968 : i32
      %dma_start3A_67 = tpu.memref_slice %arg9[%dma_start3A_66] : memref<26624xi32, #tpu.memory_space<vmem>> -> memref<3328xi32, #tpu.memory_space<vmem>>
      %dma_start3A_68 = arith.constant 0 : i32
      %dma_start3A_69 = tpu.memref_slice %arg5[%dma_start3A_68] : memref<41600416xf32, #tpu.memory_space<hbm>> -> memref<41600416xf32, #tpu.memory_space<hbm>>
      tpu.enqueue_indirect_dma source(%dma_start3A_69 : memref<41600416xf32, #tpu.memory_space<hbm>>) target(%dma_start3A_65 : memref<3328xf32, #tpu.memory_space<vmem>>) offsets(%dma_start3A_67 : memref<3328xi32, #tpu.memory_space<vmem>>) semaphore(%arg13 : memref<!tpu.dma_semaphore, #tpu.memory_space<semaphore_mem>>)
      %dma_start3A_70 = arith.constant 23296 : i32
      %dma_start3A_71 = tpu.memref_slice %arg10[%dma_start3A_70] : memref<26624xf32, #tpu.memory_space<vmem>> -> memref<3328xf32, #tpu.memory_space<vmem>>
      %dma_start3A_72 = arith.constant 23296 : i32
      %dma_start3A_73 = tpu.memref_slice %arg9[%dma_start3A_72] : memref<26624xi32, #tpu.memory_space<vmem>> -> memref<3328xi32, #tpu.memory_space<vmem>>
      %dma_start3A_74 = arith.constant 0 : i32
      %dma_start3A_75 = tpu.memref_slice %arg5[%dma_start3A_74] : memref<41600416xf32, #tpu.memory_space<hbm>> -> memref<41600416xf32, #tpu.memory_space<hbm>>
      tpu.enqueue_indirect_dma source(%dma_start3A_75 : memref<41600416xf32, #tpu.memory_space<hbm>>) target(%dma_start3A_71 : memref<3328xf32, #tpu.memory_space<vmem>>) offsets(%dma_start3A_73 : memref<3328xi32, #tpu.memory_space<vmem>>) semaphore(%arg13 : memref<!tpu.dma_semaphore, #tpu.memory_space<semaphore_mem>>)
      %scan3A_76 = arith.constant 0 : i32
      %scan3A_77 = arith.constant 0 : i32
      %scan3A_78 = arith.constant 64 : i32
      %scan3A_79 = arith.addi %scan3A_77, %scan3A_78 : i32
      %scan3A_80 = arith.constant 1 : i32
      scf.for %scan3A_137 = %scan3A_77 to %scan3A_79 step %scan3A_80  : i32 {
        %mul3A_138 = arith.constant 13 : i32
        %mul3A_139 = arith.muli %scan3A_137, %mul3A_138 : i32
        %get3A = arith.index_cast %mul3A_139 : i32 to index
        %get3A_140 = tpu.vector_load %arg11[%get3A] {strides = array<i32>} : memref<848xf32, #tpu.memory_space<vmem>>, vector<16xf32>,
        %get3A_141 = vector.shape_cast %get3A_140 : vector<16xf32> to vector<16xf32>
        %mul3A_142 = arith.constant 429 : i32
        %mul3A_143 = arith.muli %scan3A_137, %mul3A_142 : i32
        %add3A_144 = arith.constant 416 : i32
        %add3A_145 = arith.addi %mul3A_143, %add3A_144 : i32
        %swap3A = arith.index_cast %add3A_145 : i32 to index
        %swap3A_146 = tpu.vector_load %arg12[%swap3A] {strides = array<i32>} : memref<27472xf32, #tpu.memory_space<vmem>>, vector<16xf32>,
        %swap3A_147 = vector.shape_cast %swap3A_146 : vector<16xf32> to vector<16xf32>
        %swap3A_148 = vector.shape_cast %get3A_141 : vector<16xf32> to vector<16xf32>
        tpu.vector_store %arg12[%swap3A], %swap3A_148 {strides = array<i32>} : memref<27472xf32, #tpu.memory_space<vmem>>, vector<16xf32>,
      }
      %scan3A_81 = arith.constant 64 : i32
      %dma_wait3A = arith.constant 0 : i32
      %dma_wait3A_82 = tpu.memref_slice %arg10[%dma_wait3A] : memref<26624xf32, #tpu.memory_space<vmem>> -> memref<3328xf32, #tpu.memory_space<vmem>>
      %dma_wait3A_83 = arith.constant 0 : i32
      %dma_wait3A_84 = tpu.memref_slice %arg9[%dma_wait3A_83] : memref<26624xi32, #tpu.memory_space<vmem>> -> memref<3328xi32, #tpu.memory_space<vmem>>
      %dma_wait3A_85 = arith.constant 0 : i32
      %dma_wait3A_86 = tpu.memref_slice %arg5[%dma_wait3A_85] : memref<41600416xf32, #tpu.memory_space<hbm>> -> memref<41600416xf32, #tpu.memory_space<hbm>>
      tpu.wait_indirect_dma semaphore(%arg13 : memref<!tpu.dma_semaphore, #tpu.memory_space<semaphore_mem>>) src(%dma_wait3A_86 : memref<41600416xf32, #tpu.memory_space<hbm>>) dst(%dma_wait3A_82 : memref<3328xf32, #tpu.memory_space<vmem>>)
      %dma_wait3A_87 = arith.constant 3328 : i32
      %dma_wait3A_88 = tpu.memref_slice %arg10[%dma_wait3A_87] : memref<26624xf32, #tpu.memory_space<vmem>> -> memref<3328xf32, #tpu.memory_space<vmem>>
      %dma_wait3A_89 = arith.constant 3328 : i32
      %dma_wait3A_90 = tpu.memref_slice %arg9[%dma_wait3A_89] : memref<26624xi32, #tpu.memory_space<vmem>> -> memref<3328xi32, #tpu.memory_space<vmem>>
      %dma_wait3A_91 = arith.constant 0 : i32
      %dma_wait3A_92 = tpu.memref_slice %arg5[%dma_wait3A_91] : memref<41600416xf32, #tpu.memory_space<hbm>> -> memref<41600416xf32, #tpu.memory_space<hbm>>
      tpu.wait_indirect_dma semaphore(%arg13 : memref<!tpu.dma_semaphore, #tpu.memory_space<semaphore_mem>>) src(%dma_wait3A_92 : memref<41600416xf32, #tpu.memory_space<hbm>>) dst(%dma_wait3A_88 : memref<3328xf32, #tpu.memory_space<vmem>>)
      %dma_wait3A_93 = arith.constant 6656 : i32
      %dma_wait3A_94 = tpu.memref_slice %arg10[%dma_wait3A_93] : memref<26624xf32, #tpu.memory_space<vmem>> -> memref<3328xf32, #tpu.memory_space<vmem>>
      %dma_wait3A_95 = arith.constant 6656 : i32
      %dma_wait3A_96 = tpu.memref_slice %arg9[%dma_wait3A_95] : memref<26624xi32, #tpu.memory_space<vmem>> -> memref<3328xi32, #tpu.memory_space<vmem>>
      %dma_wait3A_97 = arith.constant 0 : i32
      %dma_wait3A_98 = tpu.memref_slice %arg5[%dma_wait3A_97] : memref<41600416xf32, #tpu.memory_space<hbm>> -> memref<41600416xf32, #tpu.memory_space<hbm>>
      tpu.wait_indirect_dma semaphore(%arg13 : memref<!tpu.dma_semaphore, #tpu.memory_space<semaphore_mem>>) src(%dma_wait3A_98 : memref<41600416xf32, #tpu.memory_space<hbm>>) dst(%dma_wait3A_94 : memref<3328xf32, #tpu.memory_space<vmem>>)
      %dma_wait3A_99 = arith.constant 9984 : i32
      %dma_wait3A_100 = tpu.memref_slice %arg10[%dma_wait3A_99] : memref<26624xf32, #tpu.memory_space<vmem>> -> memref<3328xf32, #tpu.memory_space<vmem>>
      %dma_wait3A_101 = arith.constant 9984 : i32
      %dma_wait3A_102 = tpu.memref_slice %arg9[%dma_wait3A_101] : memref<26624xi32, #tpu.memory_space<vmem>> -> memref<3328xi32, #tpu.memory_space<vmem>>
      %dma_wait3A_103 = arith.constant 0 : i32
      %dma_wait3A_104 = tpu.memref_slice %arg5[%dma_wait3A_103] : memref<41600416xf32, #tpu.memory_space<hbm>> -> memref<41600416xf32, #tpu.memory_space<hbm>>
      tpu.wait_indirect_dma semaphore(%arg13 : memref<!tpu.dma_semaphore, #tpu.memory_space<semaphore_mem>>) src(%dma_wait3A_104 : memref<41600416xf32, #tpu.memory_space<hbm>>) dst(%dma_wait3A_100 : memref<3328xf32, #tpu.memory_space<vmem>>)
      %dma_wait3A_105 = arith.constant 13312 : i32
      %dma_wait3A_106 = tpu.memref_slice %arg10[%dma_wait3A_105] : memref<26624xf32, #tpu.memory_space<vmem>> -> memref<3328xf32, #tpu.memory_space<vmem>>
      %dma_wait3A_107 = arith.constant 13312 : i32
      %dma_wait3A_108 = tpu.memref_slice %arg9[%dma_wait3A_107] : memref<26624xi32, #tpu.memory_space<vmem>> -> memref<3328xi32, #tpu.memory_space<vmem>>
      %dma_wait3A_109 = arith.constant 0 : i32
      %dma_wait3A_110 = tpu.memref_slice %arg5[%dma_wait3A_109] : memref<41600416xf32, #tpu.memory_space<hbm>> -> memref<41600416xf32, #tpu.memory_space<hbm>>
      tpu.wait_indirect_dma semaphore(%arg13 : memref<!tpu.dma_semaphore, #tpu.memory_space<semaphore_mem>>) src(%dma_wait3A_110 : memref<41600416xf32, #tpu.memory_space<hbm>>) dst(%dma_wait3A_106 : memref<3328xf32, #tpu.memory_space<vmem>>)
      %dma_wait3A_111 = arith.constant 16640 : i32
      %dma_wait3A_112 = tpu.memref_slice %arg10[%dma_wait3A_111] : memref<26624xf32, #tpu.memory_space<vmem>> -> memref<3328xf32, #tpu.memory_space<vmem>>
      %dma_wait3A_113 = arith.constant 16640 : i32
      %dma_wait3A_114 = tpu.memref_slice %arg9[%dma_wait3A_113] : memref<26624xi32, #tpu.memory_space<vmem>> -> memref<3328xi32, #tpu.memory_space<vmem>>
      %dma_wait3A_115 = arith.constant 0 : i32
      %dma_wait3A_116 = tpu.memref_slice %arg5[%dma_wait3A_115] : memref<41600416xf32, #tpu.memory_space<hbm>> -> memref<41600416xf32, #tpu.memory_space<hbm>>
      tpu.wait_indirect_dma semaphore(%arg13 : memref<!tpu.dma_semaphore, #tpu.memory_space<semaphore_mem>>) src(%dma_wait3A_116 : memref<41600416xf32, #tpu.memory_space<hbm>>) dst(%dma_wait3A_112 : memref<3328xf32, #tpu.memory_space<vmem>>)
      %dma_wait3A_117 = arith.constant 19968 : i32
      %dma_wait3A_118 = tpu.memref_slice %arg10[%dma_wait3A_117] : memref<26624xf32, #tpu.memory_space<vmem>> -> memref<3328xf32, #tpu.memory_space<vmem>>
      %dma_wait3A_119 = arith.constant 19968 : i32
      %dma_wait3A_120 = tpu.memref_slice %arg9[%dma_wait3A_119] : memref<26624xi32, #tpu.memory_space<vmem>> -> memref<3328xi32, #tpu.memory_space<vmem>>
      %dma_wait3A_121 = arith.constant 0 : i32
      %dma_wait3A_122 = tpu.memref_slice %arg5[%dma_wait3A_121] : memref<41600416xf32, #tpu.memory_space<hbm>> -> memref<41600416xf32, #tpu.memory_space<hbm>>
      tpu.wait_indirect_dma semaphore(%arg13 : memref<!tpu.dma_semaphore, #tpu.memory_space<semaphore_mem>>) src(%dma_wait3A_122 : memref<41600416xf32, #tpu.memory_space<hbm>>) dst(%dma_wait3A_118 : memref<3328xf32, #tpu.memory_space<vmem>>)
      %dma_wait3A_123 = arith.constant 23296 : i32
      %dma_wait3A_124 = tpu.memref_slice %arg10[%dma_wait3A_123] : memref<26624xf32, #tpu.memory_space<vmem>> -> memref<3328xf32, #tpu.memory_space<vmem>>
      %dma_wait3A_125 = arith.constant 23296 : i32
      %dma_wait3A_126 = tpu.memref_slice %arg9[%dma_wait3A_125] : memref<26624xi32, #tpu.memory_space<vmem>> -> memref<3328xi32, #tpu.memory_space<vmem>>
      %dma_wait3A_127 = arith.constant 0 : i32
      %dma_wait3A_128 = tpu.memref_slice %arg5[%dma_wait3A_127] : memref<41600416xf32, #tpu.memory_space<hbm>> -> memref<41600416xf32, #tpu.memory_space<hbm>>
      tpu.wait_indirect_dma semaphore(%arg13 : memref<!tpu.dma_semaphore, #tpu.memory_space<semaphore_mem>>) src(%dma_wait3A_128 : memref<41600416xf32, #tpu.memory_space<hbm>>) dst(%dma_wait3A_124 : memref<3328xf32, #tpu.memory_space<vmem>>)
      %scan3A_129 = arith.constant 0 : i32
      %scan3A_130 = arith.constant 0 : i32
      %scan3A_131 = arith.constant 104 : i32
      %scan3A_132 = arith.addi %scan3A_130, %scan3A_131 : i32
      %scan3A_133 = arith.constant 1 : i32
      scf.for %scan3A_137 = %scan3A_130 to %scan3A_132 step %scan3A_133  : i32 {
        %mul3A_138 = arith.constant 16 : i32
        %mul3A_139 = arith.muli %scan3A_137, %mul3A_138 : i32
        %get3A = arith.index_cast %mul3A_139 : i32 to index
        %get3A_140 = tpu.vector_load %arg7[%get3A] {strides = array<i32>} : memref<1664xi32, #tpu.memory_space<vmem>>, vector<16xi32>,
        %get3A_141 = vector.shape_cast %get3A_140 : vector<16xi32> to vector<16xi32>
        %mul3A_142 = arith.constant 16 : i32
        %mul3A_143 = arith.muli %scan3A_137, %mul3A_142 : i32
        %add3A_144 = arith.constant 0 : i32
        %add3A_145 = arith.addi %mul3A_143, %add3A_144 : i32
        %jit3A = arith.constant 26 : i32
        %div3A = arith.divsi %add3A_145, %jit3A : i32
        %sign3A = arith.constant 0 : i32
        %sign3A_146 = arith.cmpi sgt, %add3A_145, %sign3A : i32
        %sign3A_147 = arith.extui %sign3A_146 : i1 to i32
        %sign3A_148 = arith.constant 0 : i32
        %sign3A_149 = arith.cmpi slt, %add3A_145, %sign3A_148 : i32
        %sign3A_150 = arith.extui %sign3A_149 : i1 to i32
        %sign3A_151 = arith.subi %sign3A_147, %sign3A_150 : i32
        %sign3A_152 = arith.constant 0 : i32
        %sign3A_153 = arith.cmpi sgt, %jit3A, %sign3A_152 : i32
        %sign3A_154 = arith.extui %sign3A_153 : i1 to i32
        %sign3A_155 = arith.constant 0 : i32
        %sign3A_156 = arith.cmpi slt, %jit3A, %sign3A_155 : i32
        %sign3A_157 = arith.extui %sign3A_156 : i1 to i32
        %sign3A_158 = arith.subi %sign3A_154, %sign3A_157 : i32
        %ne3A = arith.cmpi ne, %sign3A_151, %sign3A_158 : i32
        %rem3A = arith.remsi %add3A_145, %jit3A : i32
        %ne3A_159 = arith.constant 0 : i32
        %ne3A_160 = arith.cmpi ne, %rem3A, %ne3A_159 : i32
        %and3A = arith.andi %ne3A, %ne3A_160 : i1
        %sub3A = arith.constant 1 : i32
        %sub3A_161 = arith.subi %div3A, %sub3A : i32
        %select_n3A = arith.select %and3A, %sub3A_161, %div3A : i32
        %mul3A_162 = arith.constant 26 : i32
        %mul3A_163 = arith.muli %select_n3A, %mul3A_162 : i32
        %sub3A_164 = arith.subi %add3A_145, %mul3A_163 : i32
        %slice3A = vector.extract_strided_slice %get3A_141 {offsets = [0], sizes = [1], strides = [1]} : vector<16xi32> to vector<1xi32>
        %squeeze3A = vector.extract %slice3A[0] : i32 from vector<1xi32>
        %eq3A = arith.constant 0 : i32
        %eq3A_165 = arith.cmpi eq, %squeeze3A, %eq3A : i32
        %mul3A_166 = arith.constant 16 : i32
        %mul3A_167 = arith.muli %add3A_145, %mul3A_166 : i32
        %get3A_168 = arith.index_cast %mul3A_167 : i32 to index
        %get3A_169 = tpu.vector_load %arg10[%get3A_168] {strides = array<i32>} : memref<26624xf32, #tpu.memory_space<vmem>>, vector<16xf32>,
        %get3A_170 = vector.shape_cast %get3A_169 : vector<16xf32> to vector<16xf32>
        %select_n3A_171 = arith.select %eq3A_165, %broadcast_in_dim3A_5, %get3A_170 : vector<16xf32>
        %mul3A_172 = arith.constant 429 : i32
        %mul3A_173 = arith.muli %select_n3A, %mul3A_172 : i32
        %mul3A_174 = arith.constant 16 : i32
        %mul3A_175 = arith.muli %sub3A_164, %mul3A_174 : i32
        %add3A_176 = arith.addi %mul3A_173, %mul3A_175 : i32
        %swap3A = arith.index_cast %add3A_176 : i32 to index
        %swap3A_177 = tpu.vector_load %arg12[%swap3A] {strides = array<i32>} : memref<27472xf32, #tpu.memory_space<vmem>>, vector<16xf32>,
        %swap3A_178 = vector.shape_cast %swap3A_177 : vector<16xf32> to vector<16xf32>
        %swap3A_179 = vector.shape_cast %select_n3A_171 : vector<16xf32> to vector<16xf32>
        tpu.vector_store %arg12[%swap3A], %swap3A_179 {strides = array<i32>} : memref<27472xf32, #tpu.memory_space<vmem>>, vector<16xf32>,
        %mul3A_180 = arith.constant 16 : i32
        %mul3A_181 = arith.muli %scan3A_137, %mul3A_180 : i32
        %add3A_182 = arith.constant 1 : i32
        %add3A_183 = arith.addi %mul3A_181, %add3A_182 : i32
        %jit3A_184 = arith.constant 26 : i32
        %div3A_185 = arith.divsi %add3A_183, %jit3A_184 : i32
        %sign3A_186 = arith.constant 0 : i32
        %sign3A_187 = arith.cmpi sgt, %add3A_183, %sign3A_186 : i32
        %sign3A_188 = arith.extui %sign3A_187 : i1 to i32
        %sign3A_189 = arith.constant 0 : i32
        %sign3A_190 = arith.cmpi slt, %add3A_183, %sign3A_189 : i32
        %sign3A_191 = arith.extui %sign3A_190 : i1 to i32
        %sign3A_192 = arith.subi %sign3A_188, %sign3A_191 : i32
        %sign3A_193 = arith.constant 0 : i32
        %sign3A_194 = arith.cmpi sgt, %jit3A_184, %sign3A_193 : i32
        %sign3A_195 = arith.extui %sign3A_194 : i1 to i32
        %sign3A_196 = arith.constant 0 : i32
        %sign3A_197 = arith.cmpi slt, %jit3A_184, %sign3A_196 : i32
        %sign3A_198 = arith.extui %sign3A_197 : i1 to i32
        %sign3A_199 = arith.subi %sign3A_195, %sign3A_198 : i32
        %ne3A_200 = arith.cmpi ne, %sign3A_192, %sign3A_199 : i32
        %rem3A_201 = arith.remsi %add3A_183, %jit3A_184 : i32
        %ne3A_202 = arith.constant 0 : i32
        %ne3A_203 = arith.cmpi ne, %rem3A_201, %ne3A_202 : i32
        %and3A_204 = arith.andi %ne3A_200, %ne3A_203 : i1
        %sub3A_205 = arith.constant 1 : i32
        %sub3A_206 = arith.subi %div3A_185, %sub3A_205 : i32
        %select_n3A_207 = arith.select %and3A_204, %sub3A_206, %div3A_185 : i32
        %mul3A_208 = arith.constant 26 : i32
        %mul3A_209 = arith.muli %select_n3A_207, %mul3A_208 : i32
        %sub3A_210 = arith.subi %add3A_183, %mul3A_209 : i32
        %slice3A_211 = vector.extract_strided_slice %get3A_141 {offsets = [1], sizes = [1], strides = [1]} : vector<16xi32> to vector<1xi32>
        %squeeze3A_212 = vector.extract %slice3A_211[0] : i32 from vector<1xi32>
        %eq3A_213 = arith.constant 0 : i32
        %eq3A_214 = arith.cmpi eq, %squeeze3A_212, %eq3A_213 : i32
        %mul3A_215 = arith.constant 16 : i32
        %mul3A_216 = arith.muli %add3A_183, %mul3A_215 : i32
        %get3A_217 = arith.index_cast %mul3A_216 : i32 to index
        %get3A_218 = tpu.vector_load %arg10[%get3A_217] {strides = array<i32>} : memref<26624xf32, #tpu.memory_space<vmem>>, vector<16xf32>,
        %get3A_219 = vector.shape_cast %get3A_218 : vector<16xf32> to vector<16xf32>
        %select_n3A_220 = arith.select %eq3A_214, %broadcast_in_dim3A_5, %get3A_219 : vector<16xf32>
        %mul3A_221 = arith.constant 429 : i32
        %mul3A_222 = arith.muli %select_n3A_207, %mul3A_221 : i32
        %mul3A_223 = arith.constant 16 : i32
        %mul3A_224 = arith.muli %sub3A_210, %mul3A_223 : i32
        %add3A_225 = arith.addi %mul3A_222, %mul3A_224 : i32
        %swap3A_226 = arith.index_cast %add3A_225 : i32 to index
        %swap3A_227 = tpu.vector_load %arg12[%swap3A_226] {strides = array<i32>} : memref<27472xf32, #tpu.memory_space<vmem>>, vector<16xf32>,
        %swap3A_228 = vector.shape_cast %swap3A_227 : vector<16xf32> to vector<16xf32>
        %swap3A_229 = vector.shape_cast %select_n3A_220 : vector<16xf32> to vector<16xf32>
        tpu.vector_store %arg12[%swap3A_226], %swap3A_229 {strides = array<i32>} : memref<27472xf32, #tpu.memory_space<vmem>>, vector<16xf32>,
        %mul3A_230 = arith.constant 16 : i32
        %mul3A_231 = arith.muli %scan3A_137, %mul3A_230 : i32
        %add3A_232 = arith.constant 2 : i32
        %add3A_233 = arith.addi %mul3A_231, %add3A_232 : i32
        %jit3A_234 = arith.constant 26 : i32
        %div3A_235 = arith.divsi %add3A_233, %jit3A_234 : i32
        %sign3A_236 = arith.constant 0 : i32
        %sign3A_237 = arith.cmpi sgt, %add3A_233, %sign3A_236 : i32
        %sign3A_238 = arith.extui %sign3A_237 : i1 to i32
        %sign3A_239 = arith.constant 0 : i32
        %sign3A_240 = arith.cmpi slt, %add3A_233, %sign3A_239 : i32
        %sign3A_241 = arith.extui %sign3A_240 : i1 to i32
        %sign3A_242 = arith.subi %sign3A_238, %sign3A_241 : i32
        %sign3A_243 = arith.constant 0 : i32
        %sign3A_244 = arith.cmpi sgt, %jit3A_234, %sign3A_243 : i32
        %sign3A_245 = arith.extui %sign3A_244 : i1 to i32
        %sign3A_246 = arith.constant 0 : i32
        %sign3A_247 = arith.cmpi slt, %jit3A_234, %sign3A_246 : i32
        %sign3A_248 = arith.extui %sign3A_247 : i1 to i32
        %sign3A_249 = arith.subi %sign3A_245, %sign3A_248 : i32
        %ne3A_250 = arith.cmpi ne, %sign3A_242, %sign3A_249 : i32
        %rem3A_251 = arith.remsi %add3A_233, %jit3A_234 : i32
        %ne3A_252 = arith.constant 0 : i32
        %ne3A_253 = arith.cmpi ne, %rem3A_251, %ne3A_252 : i32
        %and3A_254 = arith.andi %ne3A_250, %ne3A_253 : i1
        %sub3A_255 = arith.constant 1 : i32
        %sub3A_256 = arith.subi %div3A_235, %sub3A_255 : i32
        %select_n3A_257 = arith.select %and3A_254, %sub3A_256, %div3A_235 : i32
        %mul3A_258 = arith.constant 26 : i32
        %mul3A_259 = arith.muli %select_n3A_257, %mul3A_258 : i32
        %sub3A_260 = arith.subi %add3A_233, %mul3A_259 : i32
        %slice3A_261 = vector.extract_strided_slice %get3A_141 {offsets = [2], sizes = [1], strides = [1]} : vector<16xi32> to vector<1xi32>
        %squeeze3A_262 = vector.extract %slice3A_261[0] : i32 from vector<1xi32>
        %eq3A_263 = arith.constant 0 : i32
        %eq3A_264 = arith.cmpi eq, %squeeze3A_262, %eq3A_263 : i32
        %mul3A_265 = arith.constant 16 : i32
        %mul3A_266 = arith.muli %add3A_233, %mul3A_265 : i32
        %get3A_267 = arith.index_cast %mul3A_266 : i32 to index
        %get3A_268 = tpu.vector_load %arg10[%get3A_267] {strides = array<i32>} : memref<26624xf32, #tpu.memory_space<vmem>>, vector<16xf32>,
        %get3A_269 = vector.shape_cast %get3A_268 : vector<16xf32> to vector<16xf32>
        %select_n3A_270 = arith.select %eq3A_264, %broadcast_in_dim3A_5, %get3A_269 : vector<16xf32>
        %mul3A_271 = arith.constant 429 : i32
        %mul3A_272 = arith.muli %select_n3A_257, %mul3A_271 : i32
        %mul3A_273 = arith.constant 16 : i32
        %mul3A_274 = arith.muli %sub3A_260, %mul3A_273 : i32
        %add3A_275 = arith.addi %mul3A_272, %mul3A_274 : i32
        %swap3A_276 = arith.index_cast %add3A_275 : i32 to index
        %swap3A_277 = tpu.vector_load %arg12[%swap3A_276] {strides = array<i32>} : memref<27472xf32, #tpu.memory_space<vmem>>, vector<16xf32>,
        %swap3A_278 = vector.shape_cast %swap3A_277 : vector<16xf32> to vector<16xf32>
        %swap3A_279 = vector.shape_cast %select_n3A_270 : vector<16xf32> to vector<16xf32>
        tpu.vector_store %arg12[%swap3A_276], %swap3A_279 {strides = array<i32>} : memref<27472xf32, #tpu.memory_space<vmem>>, vector<16xf32>,
        %mul3A_280 = arith.constant 16 : i32
        %mul3A_281 = arith.muli %scan3A_137, %mul3A_280 : i32
        %add3A_282 = arith.constant 3 : i32
        %add3A_283 = arith.addi %mul3A_281, %add3A_282 : i32
        %jit3A_284 = arith.constant 26 : i32
        %div3A_285 = arith.divsi %add3A_283, %jit3A_284 : i32
        %sign3A_286 = arith.constant 0 : i32
        %sign3A_287 = arith.cmpi sgt, %add3A_283, %sign3A_286 : i32
        %sign3A_288 = arith.extui %sign3A_287 : i1 to i32
        %sign3A_289 = arith.constant 0 : i32
        %sign3A_290 = arith.cmpi slt, %add3A_283, %sign3A_289 : i32
        %sign3A_291 = arith.extui %sign3A_290 : i1 to i32
        %sign3A_292 = arith.subi %sign3A_288, %sign3A_291 : i32
        %sign3A_293 = arith.constant 0 : i32
        %sign3A_294 = arith.cmpi sgt, %jit3A_284, %sign3A_293 : i32
        %sign3A_295 = arith.extui %sign3A_294 : i1 to i32
        %sign3A_296 = arith.constant 0 : i32
        %sign3A_297 = arith.cmpi slt, %jit3A_284, %sign3A_296 : i32
        %sign3A_298 = arith.extui %sign3A_297 : i1 to i32
        %sign3A_299 = arith.subi %sign3A_295, %sign3A_298 : i32
        %ne3A_300 = arith.cmpi ne, %sign3A_292, %sign3A_299 : i32
        %rem3A_301 = arith.remsi %add3A_283, %jit3A_284 : i32
        %ne3A_302 = arith.constant 0 : i32
        %ne3A_303 = arith.cmpi ne, %rem3A_301, %ne3A_302 : i32
        %and3A_304 = arith.andi %ne3A_300, %ne3A_303 : i1
        %sub3A_305 = arith.constant 1 : i32
        %sub3A_306 = arith.subi %div3A_285, %sub3A_305 : i32
        %select_n3A_307 = arith.select %and3A_304, %sub3A_306, %div3A_285 : i32
        %mul3A_308 = arith.constant 26 : i32
        %mul3A_309 = arith.muli %select_n3A_307, %mul3A_308 : i32
        %sub3A_310 = arith.subi %add3A_283, %mul3A_309 : i32
        %slice3A_311 = vector.extract_strided_slice %get3A_141 {offsets = [3], sizes = [1], strides = [1]} : vector<16xi32> to vector<1xi32>
        %squeeze3A_312 = vector.extract %slice3A_311[0] : i32 from vector<1xi32>
        %eq3A_313 = arith.constant 0 : i32
        %eq3A_314 = arith.cmpi eq, %squeeze3A_312, %eq3A_313 : i32
        %mul3A_315 = arith.constant 16 : i32
        %mul3A_316 = arith.muli %add3A_283, %mul3A_315 : i32
        %get3A_317 = arith.index_cast %mul3A_316 : i32 to index
        %get3A_318 = tpu.vector_load %arg10[%get3A_317] {strides = array<i32>} : memref<26624xf32, #tpu.memory_space<vmem>>, vector<16xf32>,
        %get3A_319 = vector.shape_cast %get3A_318 : vector<16xf32> to vector<16xf32>
        %select_n3A_320 = arith.select %eq3A_314, %broadcast_in_dim3A_5, %get3A_319 : vector<16xf32>
        %mul3A_321 = arith.constant 429 : i32
        %mul3A_322 = arith.muli %select_n3A_307, %mul3A_321 : i32
        %mul3A_323 = arith.constant 16 : i32
        %mul3A_324 = arith.muli %sub3A_310, %mul3A_323 : i32
        %add3A_325 = arith.addi %mul3A_322, %mul3A_324 : i32
        %swap3A_326 = arith.index_cast %add3A_325 : i32 to index
        %swap3A_327 = tpu.vector_load %arg12[%swap3A_326] {strides = array<i32>} : memref<27472xf32, #tpu.memory_space<vmem>>, vector<16xf32>,
        %swap3A_328 = vector.shape_cast %swap3A_327 : vector<16xf32> to vector<16xf32>
        %swap3A_329 = vector.shape_cast %select_n3A_320 : vector<16xf32> to vector<16xf32>
        tpu.vector_store %arg12[%swap3A_326], %swap3A_329 {strides = array<i32>} : memref<27472xf32, #tpu.memory_space<vmem>>, vector<16xf32>,
        %mul3A_330 = arith.constant 16 : i32
        %mul3A_331 = arith.muli %scan3A_137, %mul3A_330 : i32
        %add3A_332 = arith.constant 4 : i32
        %add3A_333 = arith.addi %mul3A_331, %add3A_332 : i32
        %jit3A_334 = arith.constant 26 : i32
        %div3A_335 = arith.divsi %add3A_333, %jit3A_334 : i32
        %sign3A_336 = arith.constant 0 : i32
        %sign3A_337 = arith.cmpi sgt, %add3A_333, %sign3A_336 : i32
        %sign3A_338 = arith.extui %sign3A_337 : i1 to i32
        %sign3A_339 = arith.constant 0 : i32
        %sign3A_340 = arith.cmpi slt, %add3A_333, %sign3A_339 : i32
        %sign3A_341 = arith.extui %sign3A_340 : i1 to i32
        %sign3A_342 = arith.subi %sign3A_338, %sign3A_341 : i32
        %sign3A_343 = arith.constant 0 : i32
        %sign3A_344 = arith.cmpi sgt, %jit3A_334, %sign3A_343 : i32
        %sign3A_345 = arith.extui %sign3A_344 : i1 to i32
        %sign3A_346 = arith.constant 0 : i32
        %sign3A_347 = arith.cmpi slt, %jit3A_334, %sign3A_346 : i32
        %sign3A_348 = arith.extui %sign3A_347 : i1 to i32
        %sign3A_349 = arith.subi %sign3A_345, %sign3A_348 : i32
        %ne3A_350 = arith.cmpi ne, %sign3A_342, %sign3A_349 : i32
        %rem3A_351 = arith.remsi %add3A_333, %jit3A_334 : i32
        %ne3A_352 = arith.constant 0 : i32
        %ne3A_353 = arith.cmpi ne, %rem3A_351, %ne3A_352 : i32
        %and3A_354 = arith.andi %ne3A_350, %ne3A_353 : i1
        %sub3A_355 = arith.constant 1 : i32
        %sub3A_356 = arith.subi %div3A_335, %sub3A_355 : i32
        %select_n3A_357 = arith.select %and3A_354, %sub3A_356, %div3A_335 : i32
        %mul3A_358 = arith.constant 26 : i32
        %mul3A_359 = arith.muli %select_n3A_357, %mul3A_358 : i32
        %sub3A_360 = arith.subi %add3A_333, %mul3A_359 : i32
        %slice3A_361 = vector.extract_strided_slice %get3A_141 {offsets = [4], sizes = [1], strides = [1]} : vector<16xi32> to vector<1xi32>
        %squeeze3A_362 = vector.extract %slice3A_361[0] : i32 from vector<1xi32>
        %eq3A_363 = arith.constant 0 : i32
        %eq3A_364 = arith.cmpi eq, %squeeze3A_362, %eq3A_363 : i32
        %mul3A_365 = arith.constant 16 : i32
        %mul3A_366 = arith.muli %add3A_333, %mul3A_365 : i32
        %get3A_367 = arith.index_cast %mul3A_366 : i32 to index
        %get3A_368 = tpu.vector_load %arg10[%get3A_367] {strides = array<i32>} : memref<26624xf32, #tpu.memory_space<vmem>>, vector<16xf32>,
        %get3A_369 = vector.shape_cast %get3A_368 : vector<16xf32> to vector<16xf32>
        %select_n3A_370 = arith.select %eq3A_364, %broadcast_in_dim3A_5, %get3A_369 : vector<16xf32>
        %mul3A_371 = arith.constant 429 : i32
        %mul3A_372 = arith.muli %select_n3A_357, %mul3A_371 : i32
        %mul3A_373 = arith.constant 16 : i32
        %mul3A_374 = arith.muli %sub3A_360, %mul3A_373 : i32
        %add3A_375 = arith.addi %mul3A_372, %mul3A_374 : i32
        %swap3A_376 = arith.index_cast %add3A_375 : i32 to index
        %swap3A_377 = tpu.vector_load %arg12[%swap3A_376] {strides = array<i32>} : memref<27472xf32, #tpu.memory_space<vmem>>, vector<16xf32>,
        %swap3A_378 = vector.shape_cast %swap3A_377 : vector<16xf32> to vector<16xf32>
        %swap3A_379 = vector.shape_cast %select_n3A_370 : vector<16xf32> to vector<16xf32>
        tpu.vector_store %arg12[%swap3A_376], %swap3A_379 {strides = array<i32>} : memref<27472xf32, #tpu.memory_space<vmem>>, vector<16xf32>,
        %mul3A_380 = arith.constant 16 : i32
        %mul3A_381 = arith.muli %scan3A_137, %mul3A_380 : i32
        %add3A_382 = arith.constant 5 : i32
        %add3A_383 = arith.addi %mul3A_381, %add3A_382 : i32
        %jit3A_384 = arith.constant 26 : i32
        %div3A_385 = arith.divsi %add3A_383, %jit3A_384 : i32
        %sign3A_386 = arith.constant 0 : i32
        %sign3A_387 = arith.cmpi sgt, %add3A_383, %sign3A_386 : i32
        %sign3A_388 = arith.extui %sign3A_387 : i1 to i32
        %sign3A_389 = arith.constant 0 : i32
        %sign3A_390 = arith.cmpi slt, %add3A_383, %sign3A_389 : i32
        %sign3A_391 = arith.extui %sign3A_390 : i1 to i32
        %sign3A_392 = arith.subi %sign3A_388, %sign3A_391 : i32
        %sign3A_393 = arith.constant 0 : i32
        %sign3A_394 = arith.cmpi sgt, %jit3A_384, %sign3A_393 : i32
        %sign3A_395 = arith.extui %sign3A_394 : i1 to i32
        %sign3A_396 = arith.constant 0 : i32
        %sign3A_397 = arith.cmpi slt, %jit3A_384, %sign3A_396 : i32
        %sign3A_398 = arith.extui %sign3A_397 : i1 to i32
        %sign3A_399 = arith.subi %sign3A_395, %sign3A_398 : i32
        %ne3A_400 = arith.cmpi ne, %sign3A_392, %sign3A_399 : i32
        %rem3A_401 = arith.remsi %add3A_383, %jit3A_384 : i32
        %ne3A_402 = arith.constant 0 : i32
        %ne3A_403 = arith.cmpi ne, %rem3A_401, %ne3A_402 : i32
        %and3A_404 = arith.andi %ne3A_400, %ne3A_403 : i1
        %sub3A_405 = arith.constant 1 : i32
        %sub3A_406 = arith.subi %div3A_385, %sub3A_405 : i32
        %select_n3A_407 = arith.select %and3A_404, %sub3A_406, %div3A_385 : i32
        %mul3A_408 = arith.constant 26 : i32
        %mul3A_409 = arith.muli %select_n3A_407, %mul3A_408 : i32
        %sub3A_410 = arith.subi %add3A_383, %mul3A_409 : i32
        %slice3A_411 = vector.extract_strided_slice %get3A_141 {offsets = [5], sizes = [1], strides = [1]} : vector<16xi32> to vector<1xi32>
        %squeeze3A_412 = vector.extract %slice3A_411[0] : i32 from vector<1xi32>
        %eq3A_413 = arith.constant 0 : i32
        %eq3A_414 = arith.cmpi eq, %squeeze3A_412, %eq3A_413 : i32
        %mul3A_415 = arith.constant 16 : i32
        %mul3A_416 = arith.muli %add3A_383, %mul3A_415 : i32
        %get3A_417 = arith.index_cast %mul3A_416 : i32 to index
        %get3A_418 = tpu.vector_load %arg10[%get3A_417] {strides = array<i32>} : memref<26624xf32, #tpu.memory_space<vmem>>, vector<16xf32>,
        %get3A_419 = vector.shape_cast %get3A_418 : vector<16xf32> to vector<16xf32>
        %select_n3A_420 = arith.select %eq3A_414, %broadcast_in_dim3A_5, %get3A_419 : vector<16xf32>
        %mul3A_421 = arith.constant 429 : i32
        %mul3A_422 = arith.muli %select_n3A_407, %mul3A_421 : i32
        %mul3A_423 = arith.constant 16 : i32
        %mul3A_424 = arith.muli %sub3A_410, %mul3A_423 : i32
        %add3A_425 = arith.addi %mul3A_422, %mul3A_424 : i32
        %swap3A_426 = arith.index_cast %add3A_425 : i32 to index
        %swap3A_427 = tpu.vector_load %arg12[%swap3A_426] {strides = array<i32>} : memref<27472xf32, #tpu.memory_space<vmem>>, vector<16xf32>,
        %swap3A_428 = vector.shape_cast %swap3A_427 : vector<16xf32> to vector<16xf32>
        %swap3A_429 = vector.shape_cast %select_n3A_420 : vector<16xf32> to vector<16xf32>
        tpu.vector_store %arg12[%swap3A_426], %swap3A_429 {strides = array<i32>} : memref<27472xf32, #tpu.memory_space<vmem>>, vector<16xf32>,
        %mul3A_430 = arith.constant 16 : i32
        %mul3A_431 = arith.muli %scan3A_137, %mul3A_430 : i32
        %add3A_432 = arith.constant 6 : i32
        %add3A_433 = arith.addi %mul3A_431, %add3A_432 : i32
        %jit3A_434 = arith.constant 26 : i32
        %div3A_435 = arith.divsi %add3A_433, %jit3A_434 : i32
        %sign3A_436 = arith.constant 0 : i32
        %sign3A_437 = arith.cmpi sgt, %add3A_433, %sign3A_436 : i32
        %sign3A_438 = arith.extui %sign3A_437 : i1 to i32
        %sign3A_439 = arith.constant 0 : i32
        %sign3A_440 = arith.cmpi slt, %add3A_433, %sign3A_439 : i32
        %sign3A_441 = arith.extui %sign3A_440 : i1 to i32
        %sign3A_442 = arith.subi %sign3A_438, %sign3A_441 : i32
        %sign3A_443 = arith.constant 0 : i32
        %sign3A_444 = arith.cmpi sgt, %jit3A_434, %sign3A_443 : i32
        %sign3A_445 = arith.extui %sign3A_444 : i1 to i32
        %sign3A_446 = arith.constant 0 : i32
        %sign3A_447 = arith.cmpi slt, %jit3A_434, %sign3A_446 : i32
        %sign3A_448 = arith.extui %sign3A_447 : i1 to i32
        %sign3A_449 = arith.subi %sign3A_445, %sign3A_448 : i32
        %ne3A_450 = arith.cmpi ne, %sign3A_442, %sign3A_449 : i32
        %rem3A_451 = arith.remsi %add3A_433, %jit3A_434 : i32
        %ne3A_452 = arith.constant 0 : i32
        %ne3A_453 = arith.cmpi ne, %rem3A_451, %ne3A_452 : i32
        %and3A_454 = arith.andi %ne3A_450, %ne3A_453 : i1
        %sub3A_455 = arith.constant 1 : i32
        %sub3A_456 = arith.subi %div3A_435, %sub3A_455 : i32
        %select_n3A_457 = arith.select %and3A_454, %sub3A_456, %div3A_435 : i32
        %mul3A_458 = arith.constant 26 : i32
        %mul3A_459 = arith.muli %select_n3A_457, %mul3A_458 : i32
        %sub3A_460 = arith.subi %add3A_433, %mul3A_459 : i32
        %slice3A_461 = vector.extract_strided_slice %get3A_141 {offsets = [6], sizes = [1], strides = [1]} : vector<16xi32> to vector<1xi32>
        %squeeze3A_462 = vector.extract %slice3A_461[0] : i32 from vector<1xi32>
        %eq3A_463 = arith.constant 0 : i32
        %eq3A_464 = arith.cmpi eq, %squeeze3A_462, %eq3A_463 : i32
        %mul3A_465 = arith.constant 16 : i32
        %mul3A_466 = arith.muli %add3A_433, %mul3A_465 : i32
        %get3A_467 = arith.index_cast %mul3A_466 : i32 to index
        %get3A_468 = tpu.vector_load %arg10[%get3A_467] {strides = array<i32>} : memref<26624xf32, #tpu.memory_space<vmem>>, vector<16xf32>,
        %get3A_469 = vector.shape_cast %get3A_468 : vector<16xf32> to vector<16xf32>
        %select_n3A_470 = arith.select %eq3A_464, %broadcast_in_dim3A_5, %get3A_469 : vector<16xf32>
        %mul3A_471 = arith.constant 429 : i32
        %mul3A_472 = arith.muli %select_n3A_457, %mul3A_471 : i32
        %mul3A_473 = arith.constant 16 : i32
        %mul3A_474 = arith.muli %sub3A_460, %mul3A_473 : i32
        %add3A_475 = arith.addi %mul3A_472, %mul3A_474 : i32
        %swap3A_476 = arith.index_cast %add3A_475 : i32 to index
        %swap3A_477 = tpu.vector_load %arg12[%swap3A_476] {strides = array<i32>} : memref<27472xf32, #tpu.memory_space<vmem>>, vector<16xf32>,
        %swap3A_478 = vector.shape_cast %swap3A_477 : vector<16xf32> to vector<16xf32>
        %swap3A_479 = vector.shape_cast %select_n3A_470 : vector<16xf32> to vector<16xf32>
        tpu.vector_store %arg12[%swap3A_476], %swap3A_479 {strides = array<i32>} : memref<27472xf32, #tpu.memory_space<vmem>>, vector<16xf32>,
        %mul3A_480 = arith.constant 16 : i32
        %mul3A_481 = arith.muli %scan3A_137, %mul3A_480 : i32
        %add3A_482 = arith.constant 7 : i32
        %add3A_483 = arith.addi %mul3A_481, %add3A_482 : i32
        %jit3A_484 = arith.constant 26 : i32
        %div3A_485 = arith.divsi %add3A_483, %jit3A_484 : i32
        %sign3A_486 = arith.constant 0 : i32
        %sign3A_487 = arith.cmpi sgt, %add3A_483, %sign3A_486 : i32
        %sign3A_488 = arith.extui %sign3A_487 : i1 to i32
        %sign3A_489 = arith.constant 0 : i32
        %sign3A_490 = arith.cmpi slt, %add3A_483, %sign3A_489 : i32
        %sign3A_491 = arith.extui %sign3A_490 : i1 to i32
        %sign3A_492 = arith.subi %sign3A_488, %sign3A_491 : i32
        %sign3A_493 = arith.constant 0 : i32
        %sign3A_494 = arith.cmpi sgt, %jit3A_484, %sign3A_493 : i32
        %sign3A_495 = arith.extui %sign3A_494 : i1 to i32
        %sign3A_496 = arith.constant 0 : i32
        %sign3A_497 = arith.cmpi slt, %jit3A_484, %sign3A_496 : i32
        %sign3A_498 = arith.extui %sign3A_497 : i1 to i32
        %sign3A_499 = arith.subi %sign3A_495, %sign3A_498 : i32
        %ne3A_500 = arith.cmpi ne, %sign3A_492, %sign3A_499 : i32
        %rem3A_501 = arith.remsi %add3A_483, %jit3A_484 : i32
        %ne3A_502 = arith.constant 0 : i32
        %ne3A_503 = arith.cmpi ne, %rem3A_501, %ne3A_502 : i32
        %and3A_504 = arith.andi %ne3A_500, %ne3A_503 : i1
        %sub3A_505 = arith.constant 1 : i32
        %sub3A_506 = arith.subi %div3A_485, %sub3A_505 : i32
        %select_n3A_507 = arith.select %and3A_504, %sub3A_506, %div3A_485 : i32
        %mul3A_508 = arith.constant 26 : i32
        %mul3A_509 = arith.muli %select_n3A_507, %mul3A_508 : i32
        %sub3A_510 = arith.subi %add3A_483, %mul3A_509 : i32
        %slice3A_511 = vector.extract_strided_slice %get3A_141 {offsets = [7], sizes = [1], strides = [1]} : vector<16xi32> to vector<1xi32>
        %squeeze3A_512 = vector.extract %slice3A_511[0] : i32 from vector<1xi32>
        %eq3A_513 = arith.constant 0 : i32
        %eq3A_514 = arith.cmpi eq, %squeeze3A_512, %eq3A_513 : i32
        %mul3A_515 = arith.constant 16 : i32
        %mul3A_516 = arith.muli %add3A_483, %mul3A_515 : i32
        %get3A_517 = arith.index_cast %mul3A_516 : i32 to index
        %get3A_518 = tpu.vector_load %arg10[%get3A_517] {strides = array<i32>} : memref<26624xf32, #tpu.memory_space<vmem>>, vector<16xf32>,
        %get3A_519 = vector.shape_cast %get3A_518 : vector<16xf32> to vector<16xf32>
        %select_n3A_520 = arith.select %eq3A_514, %broadcast_in_dim3A_5, %get3A_519 : vector<16xf32>
        %mul3A_521 = arith.constant 429 : i32
        %mul3A_522 = arith.muli %select_n3A_507, %mul3A_521 : i32
        %mul3A_523 = arith.constant 16 : i32
        %mul3A_524 = arith.muli %sub3A_510, %mul3A_523 : i32
        %add3A_525 = arith.addi %mul3A_522, %mul3A_524 : i32
        %swap3A_526 = arith.index_cast %add3A_525 : i32 to index
        %swap3A_527 = tpu.vector_load %arg12[%swap3A_526] {strides = array<i32>} : memref<27472xf32, #tpu.memory_space<vmem>>, vector<16xf32>,
        %swap3A_528 = vector.shape_cast %swap3A_527 : vector<16xf32> to vector<16xf32>
        %swap3A_529 = vector.shape_cast %select_n3A_520 : vector<16xf32> to vector<16xf32>
        tpu.vector_store %arg12[%swap3A_526], %swap3A_529 {strides = array<i32>} : memref<27472xf32, #tpu.memory_space<vmem>>, vector<16xf32>,
        %mul3A_530 = arith.constant 16 : i32
        %mul3A_531 = arith.muli %scan3A_137, %mul3A_530 : i32
        %add3A_532 = arith.constant 8 : i32
        %add3A_533 = arith.addi %mul3A_531, %add3A_532 : i32
        %jit3A_534 = arith.constant 26 : i32
        %div3A_535 = arith.divsi %add3A_533, %jit3A_534 : i32
        %sign3A_536 = arith.constant 0 : i32
        %sign3A_537 = arith.cmpi sgt, %add3A_533, %sign3A_536 : i32
        %sign3A_538 = arith.extui %sign3A_537 : i1 to i32
        %sign3A_539 = arith.constant 0 : i32
        %sign3A_540 = arith.cmpi slt, %add3A_533, %sign3A_539 : i32
        %sign3A_541 = arith.extui %sign3A_540 : i1 to i32
        %sign3A_542 = arith.subi %sign3A_538, %sign3A_541 : i32
        %sign3A_543 = arith.constant 0 : i32
        %sign3A_544 = arith.cmpi sgt, %jit3A_534, %sign3A_543 : i32
        %sign3A_545 = arith.extui %sign3A_544 : i1 to i32
        %sign3A_546 = arith.constant 0 : i32
        %sign3A_547 = arith.cmpi slt, %jit3A_534, %sign3A_546 : i32
        %sign3A_548 = arith.extui %sign3A_547 : i1 to i32
        %sign3A_549 = arith.subi %sign3A_545, %sign3A_548 : i32
        %ne3A_550 = arith.cmpi ne, %sign3A_542, %sign3A_549 : i32
        %rem3A_551 = arith.remsi %add3A_533, %jit3A_534 : i32
        %ne3A_552 = arith.constant 0 : i32
        %ne3A_553 = arith.cmpi ne, %rem3A_551, %ne3A_552 : i32
        %and3A_554 = arith.andi %ne3A_550, %ne3A_553 : i1
        %sub3A_555 = arith.constant 1 : i32
        %sub3A_556 = arith.subi %div3A_535, %sub3A_555 : i32
        %select_n3A_557 = arith.select %and3A_554, %sub3A_556, %div3A_535 : i32
        %mul3A_558 = arith.constant 26 : i32
        %mul3A_559 = arith.muli %select_n3A_557, %mul3A_558 : i32
        %sub3A_560 = arith.subi %add3A_533, %mul3A_559 : i32
        %slice3A_561 = vector.extract_strided_slice %get3A_141 {offsets = [8], sizes = [1], strides = [1]} : vector<16xi32> to vector<1xi32>
        %squeeze3A_562 = vector.extract %slice3A_561[0] : i32 from vector<1xi32>
        %eq3A_563 = arith.constant 0 : i32
        %eq3A_564 = arith.cmpi eq, %squeeze3A_562, %eq3A_563 : i32
        %mul3A_565 = arith.constant 16 : i32
        %mul3A_566 = arith.muli %add3A_533, %mul3A_565 : i32
        %get3A_567 = arith.index_cast %mul3A_566 : i32 to index
        %get3A_568 = tpu.vector_load %arg10[%get3A_567] {strides = array<i32>} : memref<26624xf32, #tpu.memory_space<vmem>>, vector<16xf32>,
        %get3A_569 = vector.shape_cast %get3A_568 : vector<16xf32> to vector<16xf32>
        %select_n3A_570 = arith.select %eq3A_564, %broadcast_in_dim3A_5, %get3A_569 : vector<16xf32>
        %mul3A_571 = arith.constant 429 : i32
        %mul3A_572 = arith.muli %select_n3A_557, %mul3A_571 : i32
        %mul3A_573 = arith.constant 16 : i32
        %mul3A_574 = arith.muli %sub3A_560, %mul3A_573 : i32
        %add3A_575 = arith.addi %mul3A_572, %mul3A_574 : i32
        %swap3A_576 = arith.index_cast %add3A_575 : i32 to index
        %swap3A_577 = tpu.vector_load %arg12[%swap3A_576] {strides = array<i32>} : memref<27472xf32, #tpu.memory_space<vmem>>, vector<16xf32>,
        %swap3A_578 = vector.shape_cast %swap3A_577 : vector<16xf32> to vector<16xf32>
        %swap3A_579 = vector.shape_cast %select_n3A_570 : vector<16xf32> to vector<16xf32>
        tpu.vector_store %arg12[%swap3A_576], %swap3A_579 {strides = array<i32>} : memref<27472xf32, #tpu.memory_space<vmem>>, vector<16xf32>,
        %mul3A_580 = arith.constant 16 : i32
        %mul3A_581 = arith.muli %scan3A_137, %mul3A_580 : i32
        %add3A_582 = arith.constant 9 : i32
        %add3A_583 = arith.addi %mul3A_581, %add3A_582 : i32
        %jit3A_584 = arith.constant 26 : i32
        %div3A_585 = arith.divsi %add3A_583, %jit3A_584 : i32
        %sign3A_586 = arith.constant 0 : i32
        %sign3A_587 = arith.cmpi sgt, %add3A_583, %sign3A_586 : i32
        %sign3A_588 = arith.extui %sign3A_587 : i1 to i32
        %sign3A_589 = arith.constant 0 : i32
        %sign3A_590 = arith.cmpi slt, %add3A_583, %sign3A_589 : i32
        %sign3A_591 = arith.extui %sign3A_590 : i1 to i32
        %sign3A_592 = arith.subi %sign3A_588, %sign3A_591 : i32
        %sign3A_593 = arith.constant 0 : i32
        %sign3A_594 = arith.cmpi sgt, %jit3A_584, %sign3A_593 : i32
        %sign3A_595 = arith.extui %sign3A_594 : i1 to i32
        %sign3A_596 = arith.constant 0 : i32
        %sign3A_597 = arith.cmpi slt, %jit3A_584, %sign3A_596 : i32
        %sign3A_598 = arith.extui %sign3A_597 : i1 to i32
        %sign3A_599 = arith.subi %sign3A_595, %sign3A_598 : i32
        %ne3A_600 = arith.cmpi ne, %sign3A_592, %sign3A_599 : i32
        %rem3A_601 = arith.remsi %add3A_583, %jit3A_584 : i32
        %ne3A_602 = arith.constant 0 : i32
        %ne3A_603 = arith.cmpi ne, %rem3A_601, %ne3A_602 : i32
        %and3A_604 = arith.andi %ne3A_600, %ne3A_603 : i1
        %sub3A_605 = arith.constant 1 : i32
        %sub3A_606 = arith.subi %div3A_585, %sub3A_605 : i32
        %select_n3A_607 = arith.select %and3A_604, %sub3A_606, %div3A_585 : i32
        %mul3A_608 = arith.constant 26 : i32
        %mul3A_609 = arith.muli %select_n3A_607, %mul3A_608 : i32
        %sub3A_610 = arith.subi %add3A_583, %mul3A_609 : i32
        %slice3A_611 = vector.extract_strided_slice %get3A_141 {offsets = [9], sizes = [1], strides = [1]} : vector<16xi32> to vector<1xi32>
        %squeeze3A_612 = vector.extract %slice3A_611[0] : i32 from vector<1xi32>
        %eq3A_613 = arith.constant 0 : i32
        %eq3A_614 = arith.cmpi eq, %squeeze3A_612, %eq3A_613 : i32
        %mul3A_615 = arith.constant 16 : i32
        %mul3A_616 = arith.muli %add3A_583, %mul3A_615 : i32
        %get3A_617 = arith.index_cast %mul3A_616 : i32 to index
        %get3A_618 = tpu.vector_load %arg10[%get3A_617] {strides = array<i32>} : memref<26624xf32, #tpu.memory_space<vmem>>, vector<16xf32>,
        %get3A_619 = vector.shape_cast %get3A_618 : vector<16xf32> to vector<16xf32>
        %select_n3A_620 = arith.select %eq3A_614, %broadcast_in_dim3A_5, %get3A_619 : vector<16xf32>
        %mul3A_621 = arith.constant 429 : i32
        %mul3A_622 = arith.muli %select_n3A_607, %mul3A_621 : i32
        %mul3A_623 = arith.constant 16 : i32
        %mul3A_624 = arith.muli %sub3A_610, %mul3A_623 : i32
        %add3A_625 = arith.addi %mul3A_622, %mul3A_624 : i32
        %swap3A_626 = arith.index_cast %add3A_625 : i32 to index
        %swap3A_627 = tpu.vector_load %arg12[%swap3A_626] {strides = array<i32>} : memref<27472xf32, #tpu.memory_space<vmem>>, vector<16xf32>,
        %swap3A_628 = vector.shape_cast %swap3A_627 : vector<16xf32> to vector<16xf32>
        %swap3A_629 = vector.shape_cast %select_n3A_620 : vector<16xf32> to vector<16xf32>
        tpu.vector_store %arg12[%swap3A_626], %swap3A_629 {strides = array<i32>} : memref<27472xf32, #tpu.memory_space<vmem>>, vector<16xf32>,
        %mul3A_630 = arith.constant 16 : i32
        %mul3A_631 = arith.muli %scan3A_137, %mul3A_630 : i32
        %add3A_632 = arith.constant 10 : i32
        %add3A_633 = arith.addi %mul3A_631, %add3A_632 : i32
        %jit3A_634 = arith.constant 26 : i32
        %div3A_635 = arith.divsi %add3A_633, %jit3A_634 : i32
        %sign3A_636 = arith.constant 0 : i32
        %sign3A_637 = arith.cmpi sgt, %add3A_633, %sign3A_636 : i32
        %sign3A_638 = arith.extui %sign3A_637 : i1 to i32
        %sign3A_639 = arith.constant 0 : i32
        %sign3A_640 = arith.cmpi slt, %add3A_633, %sign3A_639 : i32
        %sign3A_641 = arith.extui %sign3A_640 : i1 to i32
        %sign3A_642 = arith.subi %sign3A_638, %sign3A_641 : i32
        %sign3A_643 = arith.constant 0 : i32
        %sign3A_644 = arith.cmpi sgt, %jit3A_634, %sign3A_643 : i32
        %sign3A_645 = arith.extui %sign3A_644 : i1 to i32
        %sign3A_646 = arith.constant 0 : i32
        %sign3A_647 = arith.cmpi slt, %jit3A_634, %sign3A_646 : i32
        %sign3A_648 = arith.extui %sign3A_647 : i1 to i32
        %sign3A_649 = arith.subi %sign3A_645, %sign3A_648 : i32
        %ne3A_650 = arith.cmpi ne, %sign3A_642, %sign3A_649 : i32
        %rem3A_651 = arith.remsi %add3A_633, %jit3A_634 : i32
        %ne3A_652 = arith.constant 0 : i32
        %ne3A_653 = arith.cmpi ne, %rem3A_651, %ne3A_652 : i32
        %and3A_654 = arith.andi %ne3A_650, %ne3A_653 : i1
        %sub3A_655 = arith.constant 1 : i32
        %sub3A_656 = arith.subi %div3A_635, %sub3A_655 : i32
        %select_n3A_657 = arith.select %and3A_654, %sub3A_656, %div3A_635 : i32
        %mul3A_658 = arith.constant 26 : i32
        %mul3A_659 = arith.muli %select_n3A_657, %mul3A_658 : i32
        %sub3A_660 = arith.subi %add3A_633, %mul3A_659 : i32
        %slice3A_661 = vector.extract_strided_slice %get3A_141 {offsets = [10], sizes = [1], strides = [1]} : vector<16xi32> to vector<1xi32>
        %squeeze3A_662 = vector.extract %slice3A_661[0] : i32 from vector<1xi32>
        %eq3A_663 = arith.constant 0 : i32
        %eq3A_664 = arith.cmpi eq, %squeeze3A_662, %eq3A_663 : i32
        %mul3A_665 = arith.constant 16 : i32
        %mul3A_666 = arith.muli %add3A_633, %mul3A_665 : i32
        %get3A_667 = arith.index_cast %mul3A_666 : i32 to index
        %get3A_668 = tpu.vector_load %arg10[%get3A_667] {strides = array<i32>} : memref<26624xf32, #tpu.memory_space<vmem>>, vector<16xf32>,
        %get3A_669 = vector.shape_cast %get3A_668 : vector<16xf32> to vector<16xf32>
        %select_n3A_670 = arith.select %eq3A_664, %broadcast_in_dim3A_5, %get3A_669 : vector<16xf32>
        %mul3A_671 = arith.constant 429 : i32
        %mul3A_672 = arith.muli %select_n3A_657, %mul3A_671 : i32
        %mul3A_673 = arith.constant 16 : i32
        %mul3A_674 = arith.muli %sub3A_660, %mul3A_673 : i32
        %add3A_675 = arith.addi %mul3A_672, %mul3A_674 : i32
        %swap3A_676 = arith.index_cast %add3A_675 : i32 to index
        %swap3A_677 = tpu.vector_load %arg12[%swap3A_676] {strides = array<i32>} : memref<27472xf32, #tpu.memory_space<vmem>>, vector<16xf32>,
        %swap3A_678 = vector.shape_cast %swap3A_677 : vector<16xf32> to vector<16xf32>
        %swap3A_679 = vector.shape_cast %select_n3A_670 : vector<16xf32> to vector<16xf32>
        tpu.vector_store %arg12[%swap3A_676], %swap3A_679 {strides = array<i32>} : memref<27472xf32, #tpu.memory_space<vmem>>, vector<16xf32>,
        %mul3A_680 = arith.constant 16 : i32
        %mul3A_681 = arith.muli %scan3A_137, %mul3A_680 : i32
        %add3A_682 = arith.constant 11 : i32
        %add3A_683 = arith.addi %mul3A_681, %add3A_682 : i32
        %jit3A_684 = arith.constant 26 : i32
        %div3A_685 = arith.divsi %add3A_683, %jit3A_684 : i32
        %sign3A_686 = arith.constant 0 : i32
        %sign3A_687 = arith.cmpi sgt, %add3A_683, %sign3A_686 : i32
        %sign3A_688 = arith.extui %sign3A_687 : i1 to i32
        %sign3A_689 = arith.constant 0 : i32
        %sign3A_690 = arith.cmpi slt, %add3A_683, %sign3A_689 : i32
        %sign3A_691 = arith.extui %sign3A_690 : i1 to i32
        %sign3A_692 = arith.subi %sign3A_688, %sign3A_691 : i32
        %sign3A_693 = arith.constant 0 : i32
        %sign3A_694 = arith.cmpi sgt, %jit3A_684, %sign3A_693 : i32
        %sign3A_695 = arith.extui %sign3A_694 : i1 to i32
        %sign3A_696 = arith.constant 0 : i32
        %sign3A_697 = arith.cmpi slt, %jit3A_684, %sign3A_696 : i32
        %sign3A_698 = arith.extui %sign3A_697 : i1 to i32
        %sign3A_699 = arith.subi %sign3A_695, %sign3A_698 : i32
        %ne3A_700 = arith.cmpi ne, %sign3A_692, %sign3A_699 : i32
        %rem3A_701 = arith.remsi %add3A_683, %jit3A_684 : i32
        %ne3A_702 = arith.constant 0 : i32
        %ne3A_703 = arith.cmpi ne, %rem3A_701, %ne3A_702 : i32
        %and3A_704 = arith.andi %ne3A_700, %ne3A_703 : i1
        %sub3A_705 = arith.constant 1 : i32
        %sub3A_706 = arith.subi %div3A_685, %sub3A_705 : i32
        %select_n3A_707 = arith.select %and3A_704, %sub3A_706, %div3A_685 : i32
        %mul3A_708 = arith.constant 26 : i32
        %mul3A_709 = arith.muli %select_n3A_707, %mul3A_708 : i32
        %sub3A_710 = arith.subi %add3A_683, %mul3A_709 : i32
        %slice3A_711 = vector.extract_strided_slice %get3A_141 {offsets = [11], sizes = [1], strides = [1]} : vector<16xi32> to vector<1xi32>
        %squeeze3A_712 = vector.extract %slice3A_711[0] : i32 from vector<1xi32>
        %eq3A_713 = arith.constant 0 : i32
        %eq3A_714 = arith.cmpi eq, %squeeze3A_712, %eq3A_713 : i32
        %mul3A_715 = arith.constant 16 : i32
        %mul3A_716 = arith.muli %add3A_683, %mul3A_715 : i32
        %get3A_717 = arith.index_cast %mul3A_716 : i32 to index
        %get3A_718 = tpu.vector_load %arg10[%get3A_717] {strides = array<i32>} : memref<26624xf32, #tpu.memory_space<vmem>>, vector<16xf32>,
        %get3A_719 = vector.shape_cast %get3A_718 : vector<16xf32> to vector<16xf32>
        %select_n3A_720 = arith.select %eq3A_714, %broadcast_in_dim3A_5, %get3A_719 : vector<16xf32>
        %mul3A_721 = arith.constant 429 : i32
        %mul3A_722 = arith.muli %select_n3A_707, %mul3A_721 : i32
        %mul3A_723 = arith.constant 16 : i32
        %mul3A_724 = arith.muli %sub3A_710, %mul3A_723 : i32
        %add3A_725 = arith.addi %mul3A_722, %mul3A_724 : i32
        %swap3A_726 = arith.index_cast %add3A_725 : i32 to index
        %swap3A_727 = tpu.vector_load %arg12[%swap3A_726] {strides = array<i32>} : memref<27472xf32, #tpu.memory_space<vmem>>, vector<16xf32>,
        %swap3A_728 = vector.shape_cast %swap3A_727 : vector<16xf32> to vector<16xf32>
        %swap3A_729 = vector.shape_cast %select_n3A_720 : vector<16xf32> to vector<16xf32>
        tpu.vector_store %arg12[%swap3A_726], %swap3A_729 {strides = array<i32>} : memref<27472xf32, #tpu.memory_space<vmem>>, vector<16xf32>,
        %mul3A_730 = arith.constant 16 : i32
        %mul3A_731 = arith.muli %scan3A_137, %mul3A_730 : i32
        %add3A_732 = arith.constant 12 : i32
        %add3A_733 = arith.addi %mul3A_731, %add3A_732 : i32
        %jit3A_734 = arith.constant 26 : i32
        %div3A_735 = arith.divsi %add3A_733, %jit3A_734 : i32
        %sign3A_736 = arith.constant 0 : i32
        %sign3A_737 = arith.cmpi sgt, %add3A_733, %sign3A_736 : i32
        %sign3A_738 = arith.extui %sign3A_737 : i1 to i32
        %sign3A_739 = arith.constant 0 : i32
        %sign3A_740 = arith.cmpi slt, %add3A_733, %sign3A_739 : i32
        %sign3A_741 = arith.extui %sign3A_740 : i1 to i32
        %sign3A_742 = arith.subi %sign3A_738, %sign3A_741 : i32
        %sign3A_743 = arith.constant 0 : i32
        %sign3A_744 = arith.cmpi sgt, %jit3A_734, %sign3A_743 : i32
        %sign3A_745 = arith.extui %sign3A_744 : i1 to i32
        %sign3A_746 = arith.constant 0 : i32
        %sign3A_747 = arith.cmpi slt, %jit3A_734, %sign3A_746 : i32
        %sign3A_748 = arith.extui %sign3A_747 : i1 to i32
        %sign3A_749 = arith.subi %sign3A_745, %sign3A_748 : i32
        %ne3A_750 = arith.cmpi ne, %sign3A_742, %sign3A_749 : i32
        %rem3A_751 = arith.remsi %add3A_733, %jit3A_734 : i32
        %ne3A_752 = arith.constant 0 : i32
        %ne3A_753 = arith.cmpi ne, %rem3A_751, %ne3A_752 : i32
        %and3A_754 = arith.andi %ne3A_750, %ne3A_753 : i1
        %sub3A_755 = arith.constant 1 : i32
        %sub3A_756 = arith.subi %div3A_735, %sub3A_755 : i32
        %select_n3A_757 = arith.select %and3A_754, %sub3A_756, %div3A_735 : i32
        %mul3A_758 = arith.constant 26 : i32
        %mul3A_759 = arith.muli %select_n3A_757, %mul3A_758 : i32
        %sub3A_760 = arith.subi %add3A_733, %mul3A_759 : i32
        %slice3A_761 = vector.extract_strided_slice %get3A_141 {offsets = [12], sizes = [1], strides = [1]} : vector<16xi32> to vector<1xi32>
        %squeeze3A_762 = vector.extract %slice3A_761[0] : i32 from vector<1xi32>
        %eq3A_763 = arith.constant 0 : i32
        %eq3A_764 = arith.cmpi eq, %squeeze3A_762, %eq3A_763 : i32
        %mul3A_765 = arith.constant 16 : i32
        %mul3A_766 = arith.muli %add3A_733, %mul3A_765 : i32
        %get3A_767 = arith.index_cast %mul3A_766 : i32 to index
        %get3A_768 = tpu.vector_load %arg10[%get3A_767] {strides = array<i32>} : memref<26624xf32, #tpu.memory_space<vmem>>, vector<16xf32>,
        %get3A_769 = vector.shape_cast %get3A_768 : vector<16xf32> to vector<16xf32>
        %select_n3A_770 = arith.select %eq3A_764, %broadcast_in_dim3A_5, %get3A_769 : vector<16xf32>
        %mul3A_771 = arith.constant 429 : i32
        %mul3A_772 = arith.muli %select_n3A_757, %mul3A_771 : i32
        %mul3A_773 = arith.constant 16 : i32
        %mul3A_774 = arith.muli %sub3A_760, %mul3A_773 : i32
        %add3A_775 = arith.addi %mul3A_772, %mul3A_774 : i32
        %swap3A_776 = arith.index_cast %add3A_775 : i32 to index
        %swap3A_777 = tpu.vector_load %arg12[%swap3A_776] {strides = array<i32>} : memref<27472xf32, #tpu.memory_space<vmem>>, vector<16xf32>,
        %swap3A_778 = vector.shape_cast %swap3A_777 : vector<16xf32> to vector<16xf32>
        %swap3A_779 = vector.shape_cast %select_n3A_770 : vector<16xf32> to vector<16xf32>
        tpu.vector_store %arg12[%swap3A_776], %swap3A_779 {strides = array<i32>} : memref<27472xf32, #tpu.memory_space<vmem>>, vector<16xf32>,
        %mul3A_780 = arith.constant 16 : i32
        %mul3A_781 = arith.muli %scan3A_137, %mul3A_780 : i32
        %add3A_782 = arith.constant 13 : i32
        %add3A_783 = arith.addi %mul3A_781, %add3A_782 : i32
        %jit3A_784 = arith.constant 26 : i32
        %div3A_785 = arith.divsi %add3A_783, %jit3A_784 : i32
        %sign3A_786 = arith.constant 0 : i32
        %sign3A_787 = arith.cmpi sgt, %add3A_783, %sign3A_786 : i32
        %sign3A_788 = arith.extui %sign3A_787 : i1 to i32
        %sign3A_789 = arith.constant 0 : i32
        %sign3A_790 = arith.cmpi slt, %add3A_783, %sign3A_789 : i32
        %sign3A_791 = arith.extui %sign3A_790 : i1 to i32
        %sign3A_792 = arith.subi %sign3A_788, %sign3A_791 : i32
        %sign3A_793 = arith.constant 0 : i32
        %sign3A_794 = arith.cmpi sgt, %jit3A_784, %sign3A_793 : i32
        %sign3A_795 = arith.extui %sign3A_794 : i1 to i32
        %sign3A_796 = arith.constant 0 : i32
        %sign3A_797 = arith.cmpi slt, %jit3A_784, %sign3A_796 : i32
        %sign3A_798 = arith.extui %sign3A_797 : i1 to i32
        %sign3A_799 = arith.subi %sign3A_795, %sign3A_798 : i32
        %ne3A_800 = arith.cmpi ne, %sign3A_792, %sign3A_799 : i32
        %rem3A_801 = arith.remsi %add3A_783, %jit3A_784 : i32
        %ne3A_802 = arith.constant 0 : i32
        %ne3A_803 = arith.cmpi ne, %rem3A_801, %ne3A_802 : i32
        %and3A_804 = arith.andi %ne3A_800, %ne3A_803 : i1
        %sub3A_805 = arith.constant 1 : i32
        %sub3A_806 = arith.subi %div3A_785, %sub3A_805 : i32
        %select_n3A_807 = arith.select %and3A_804, %sub3A_806, %div3A_785 : i32
        %mul3A_808 = arith.constant 26 : i32
        %mul3A_809 = arith.muli %select_n3A_807, %mul3A_808 : i32
        %sub3A_810 = arith.subi %add3A_783, %mul3A_809 : i32
        %slice3A_811 = vector.extract_strided_slice %get3A_141 {offsets = [13], sizes = [1], strides = [1]} : vector<16xi32> to vector<1xi32>
        %squeeze3A_812 = vector.extract %slice3A_811[0] : i32 from vector<1xi32>
        %eq3A_813 = arith.constant 0 : i32
        %eq3A_814 = arith.cmpi eq, %squeeze3A_812, %eq3A_813 : i32
        %mul3A_815 = arith.constant 16 : i32
        %mul3A_816 = arith.muli %add3A_783, %mul3A_815 : i32
        %get3A_817 = arith.index_cast %mul3A_816 : i32 to index
        %get3A_818 = tpu.vector_load %arg10[%get3A_817] {strides = array<i32>} : memref<26624xf32, #tpu.memory_space<vmem>>, vector<16xf32>,
        %get3A_819 = vector.shape_cast %get3A_818 : vector<16xf32> to vector<16xf32>
        %select_n3A_820 = arith.select %eq3A_814, %broadcast_in_dim3A_5, %get3A_819 : vector<16xf32>
        %mul3A_821 = arith.constant 429 : i32
        %mul3A_822 = arith.muli %select_n3A_807, %mul3A_821 : i32
        %mul3A_823 = arith.constant 16 : i32
        %mul3A_824 = arith.muli %sub3A_810, %mul3A_823 : i32
        %add3A_825 = arith.addi %mul3A_822, %mul3A_824 : i32
        %swap3A_826 = arith.index_cast %add3A_825 : i32 to index
        %swap3A_827 = tpu.vector_load %arg12[%swap3A_826] {strides = array<i32>} : memref<27472xf32, #tpu.memory_space<vmem>>, vector<16xf32>,
        %swap3A_828 = vector.shape_cast %swap3A_827 : vector<16xf32> to vector<16xf32>
        %swap3A_829 = vector.shape_cast %select_n3A_820 : vector<16xf32> to vector<16xf32>
        tpu.vector_store %arg12[%swap3A_826], %swap3A_829 {strides = array<i32>} : memref<27472xf32, #tpu.memory_space<vmem>>, vector<16xf32>,
        %mul3A_830 = arith.constant 16 : i32
        %mul3A_831 = arith.muli %scan3A_137, %mul3A_830 : i32
        %add3A_832 = arith.constant 14 : i32
        %add3A_833 = arith.addi %mul3A_831, %add3A_832 : i32
        %jit3A_834 = arith.constant 26 : i32
        %div3A_835 = arith.divsi %add3A_833, %jit3A_834 : i32
        %sign3A_836 = arith.constant 0 : i32
        %sign3A_837 = arith.cmpi sgt, %add3A_833, %sign3A_836 : i32
        %sign3A_838 = arith.extui %sign3A_837 : i1 to i32
        %sign3A_839 = arith.constant 0 : i32
        %sign3A_840 = arith.cmpi slt, %add3A_833, %sign3A_839 : i32
        %sign3A_841 = arith.extui %sign3A_840 : i1 to i32
        %sign3A_842 = arith.subi %sign3A_838, %sign3A_841 : i32
        %sign3A_843 = arith.constant 0 : i32
        %sign3A_844 = arith.cmpi sgt, %jit3A_834, %sign3A_843 : i32
        %sign3A_845 = arith.extui %sign3A_844 : i1 to i32
        %sign3A_846 = arith.constant 0 : i32
        %sign3A_847 = arith.cmpi slt, %jit3A_834, %sign3A_846 : i32
        %sign3A_848 = arith.extui %sign3A_847 : i1 to i32
        %sign3A_849 = arith.subi %sign3A_845, %sign3A_848 : i32
        %ne3A_850 = arith.cmpi ne, %sign3A_842, %sign3A_849 : i32
        %rem3A_851 = arith.remsi %add3A_833, %jit3A_834 : i32
        %ne3A_852 = arith.constant 0 : i32
        %ne3A_853 = arith.cmpi ne, %rem3A_851, %ne3A_852 : i32
        %and3A_854 = arith.andi %ne3A_850, %ne3A_853 : i1
        %sub3A_855 = arith.constant 1 : i32
        %sub3A_856 = arith.subi %div3A_835, %sub3A_855 : i32
        %select_n3A_857 = arith.select %and3A_854, %sub3A_856, %div3A_835 : i32
        %mul3A_858 = arith.constant 26 : i32
        %mul3A_859 = arith.muli %select_n3A_857, %mul3A_858 : i32
        %sub3A_860 = arith.subi %add3A_833, %mul3A_859 : i32
        %slice3A_861 = vector.extract_strided_slice %get3A_141 {offsets = [14], sizes = [1], strides = [1]} : vector<16xi32> to vector<1xi32>
        %squeeze3A_862 = vector.extract %slice3A_861[0] : i32 from vector<1xi32>
        %eq3A_863 = arith.constant 0 : i32
        %eq3A_864 = arith.cmpi eq, %squeeze3A_862, %eq3A_863 : i32
        %mul3A_865 = arith.constant 16 : i32
        %mul3A_866 = arith.muli %add3A_833, %mul3A_865 : i32
        %get3A_867 = arith.index_cast %mul3A_866 : i32 to index
        %get3A_868 = tpu.vector_load %arg10[%get3A_867] {strides = array<i32>} : memref<26624xf32, #tpu.memory_space<vmem>>, vector<16xf32>,
        %get3A_869 = vector.shape_cast %get3A_868 : vector<16xf32> to vector<16xf32>
        %select_n3A_870 = arith.select %eq3A_864, %broadcast_in_dim3A_5, %get3A_869 : vector<16xf32>
        %mul3A_871 = arith.constant 429 : i32
        %mul3A_872 = arith.muli %select_n3A_857, %mul3A_871 : i32
        %mul3A_873 = arith.constant 16 : i32
        %mul3A_874 = arith.muli %sub3A_860, %mul3A_873 : i32
        %add3A_875 = arith.addi %mul3A_872, %mul3A_874 : i32
        %swap3A_876 = arith.index_cast %add3A_875 : i32 to index
        %swap3A_877 = tpu.vector_load %arg12[%swap3A_876] {strides = array<i32>} : memref<27472xf32, #tpu.memory_space<vmem>>, vector<16xf32>,
        %swap3A_878 = vector.shape_cast %swap3A_877 : vector<16xf32> to vector<16xf32>
        %swap3A_879 = vector.shape_cast %select_n3A_870 : vector<16xf32> to vector<16xf32>
        tpu.vector_store %arg12[%swap3A_876], %swap3A_879 {strides = array<i32>} : memref<27472xf32, #tpu.memory_space<vmem>>, vector<16xf32>,
        %mul3A_880 = arith.constant 16 : i32
        %mul3A_881 = arith.muli %scan3A_137, %mul3A_880 : i32
        %add3A_882 = arith.constant 15 : i32
        %add3A_883 = arith.addi %mul3A_881, %add3A_882 : i32
        %jit3A_884 = arith.constant 26 : i32
        %div3A_885 = arith.divsi %add3A_883, %jit3A_884 : i32
        %sign3A_886 = arith.constant 0 : i32
        %sign3A_887 = arith.cmpi sgt, %add3A_883, %sign3A_886 : i32
        %sign3A_888 = arith.extui %sign3A_887 : i1 to i32
        %sign3A_889 = arith.constant 0 : i32
        %sign3A_890 = arith.cmpi slt, %add3A_883, %sign3A_889 : i32
        %sign3A_891 = arith.extui %sign3A_890 : i1 to i32
        %sign3A_892 = arith.subi %sign3A_888, %sign3A_891 : i32
        %sign3A_893 = arith.constant 0 : i32
        %sign3A_894 = arith.cmpi sgt, %jit3A_884, %sign3A_893 : i32
        %sign3A_895 = arith.extui %sign3A_894 : i1 to i32
        %sign3A_896 = arith.constant 0 : i32
        %sign3A_897 = arith.cmpi slt, %jit3A_884, %sign3A_896 : i32
        %sign3A_898 = arith.extui %sign3A_897 : i1 to i32
        %sign3A_899 = arith.subi %sign3A_895, %sign3A_898 : i32
        %ne3A_900 = arith.cmpi ne, %sign3A_892, %sign3A_899 : i32
        %rem3A_901 = arith.remsi %add3A_883, %jit3A_884 : i32
        %ne3A_902 = arith.constant 0 : i32
        %ne3A_903 = arith.cmpi ne, %rem3A_901, %ne3A_902 : i32
        %and3A_904 = arith.andi %ne3A_900, %ne3A_903 : i1
        %sub3A_905 = arith.constant 1 : i32
        %sub3A_906 = arith.subi %div3A_885, %sub3A_905 : i32
        %select_n3A_907 = arith.select %and3A_904, %sub3A_906, %div3A_885 : i32
        %mul3A_908 = arith.constant 26 : i32
        %mul3A_909 = arith.muli %select_n3A_907, %mul3A_908 : i32
        %sub3A_910 = arith.subi %add3A_883, %mul3A_909 : i32
        %slice3A_911 = vector.extract_strided_slice %get3A_141 {offsets = [15], sizes = [1], strides = [1]} : vector<16xi32> to vector<1xi32>
        %squeeze3A_912 = vector.extract %slice3A_911[0] : i32 from vector<1xi32>
        %eq3A_913 = arith.constant 0 : i32
        %eq3A_914 = arith.cmpi eq, %squeeze3A_912, %eq3A_913 : i32
        %mul3A_915 = arith.constant 16 : i32
        %mul3A_916 = arith.muli %add3A_883, %mul3A_915 : i32
        %get3A_917 = arith.index_cast %mul3A_916 : i32 to index
        %get3A_918 = tpu.vector_load %arg10[%get3A_917] {strides = array<i32>} : memref<26624xf32, #tpu.memory_space<vmem>>, vector<16xf32>,
        %get3A_919 = vector.shape_cast %get3A_918 : vector<16xf32> to vector<16xf32>
        %select_n3A_920 = arith.select %eq3A_914, %broadcast_in_dim3A_5, %get3A_919 : vector<16xf32>
        %mul3A_921 = arith.constant 429 : i32
        %mul3A_922 = arith.muli %select_n3A_907, %mul3A_921 : i32
        %mul3A_923 = arith.constant 16 : i32
        %mul3A_924 = arith.muli %sub3A_910, %mul3A_923 : i32
        %add3A_925 = arith.addi %mul3A_922, %mul3A_924 : i32
        %swap3A_926 = arith.index_cast %add3A_925 : i32 to index
        %swap3A_927 = tpu.vector_load %arg12[%swap3A_926] {strides = array<i32>} : memref<27472xf32, #tpu.memory_space<vmem>>, vector<16xf32>,
        %swap3A_928 = vector.shape_cast %swap3A_927 : vector<16xf32> to vector<16xf32>
        %swap3A_929 = vector.shape_cast %select_n3A_920 : vector<16xf32> to vector<16xf32>
        tpu.vector_store %arg12[%swap3A_926], %swap3A_929 {strides = array<i32>} : memref<27472xf32, #tpu.memory_space<vmem>>, vector<16xf32>,
      }
      %scan3A_134 = arith.constant 104 : i32
      %mul3A_135 = arith.constant 429 : i32
      %mul3A_136 = arith.muli %add3A_20, %mul3A_135 : i32
      "tpu.region"() ({
        %run_scoped3A = tpu.sem_alloc : memref<!tpu.dma_semaphore, #tpu.memory_space<semaphore_mem>>
        %dma_start3A_137 = arith.constant 0 : i32
        %dma_start3A_138 = tpu.memref_slice %arg12[%dma_start3A_137] : memref<27472xf32, #tpu.memory_space<vmem>> -> memref<27456xf32, #tpu.memory_space<vmem>>
        %dma_start3A_139 = tpu.memref_slice %arg6[%mul3A_136] : memref<7028736xf32, #tpu.memory_space<hbm>> -> memref<27456xf32, #tpu.memory_space<hbm>>
        %dma_start3A_140 = tpu.memref_slice %arg6[%mul3A_136] : memref<7028736xf32, #tpu.memory_space<hbm>> -> memref<27456xf32, #tpu.memory_space<hbm>>
        %dma_start3A_141 = arith.constant 0 : i32
        %dma_start3A_142 = tpu.memref_slice %arg12[%dma_start3A_141] : memref<27472xf32, #tpu.memory_space<vmem>> -> memref<27456xf32, #tpu.memory_space<vmem>>
        tpu.enqueue_dma source(%dma_start3A_142 : memref<27456xf32, #tpu.memory_space<vmem>>) target(%dma_start3A_140 : memref<27456xf32, #tpu.memory_space<hbm>>) target_semaphore(%run_scoped3A : memref<!tpu.dma_semaphore, #tpu.memory_space<semaphore_mem>>)
        %dma_wait3A_143 = arith.constant 0 : i32
        %dma_wait3A_144 = tpu.memref_slice %arg12[%dma_wait3A_143] : memref<27472xf32, #tpu.memory_space<vmem>> -> memref<27456xf32, #tpu.memory_space<vmem>>
        %dma_wait3A_145 = tpu.memref_slice %arg6[%mul3A_136] : memref<7028736xf32, #tpu.memory_space<hbm>> -> memref<27456xf32, #tpu.memory_space<hbm>>
        %dma_wait3A_146 = tpu.memref_slice %arg6[%mul3A_136] : memref<7028736xf32, #tpu.memory_space<hbm>> -> memref<27456xf32, #tpu.memory_space<hbm>>
        %dma_wait3A_147 = arith.constant 0 : i32
        %dma_wait3A_148 = tpu.memref_slice %arg12[%dma_wait3A_147] : memref<27472xf32, #tpu.memory_space<vmem>> -> memref<27456xf32, #tpu.memory_space<vmem>>
        tpu.wait_dma2 semaphore(%run_scoped3A : memref<!tpu.dma_semaphore, #tpu.memory_space<semaphore_mem>>) src(%dma_wait3A_148 : memref<27456xf32, #tpu.memory_space<vmem>>) dst(%dma_wait3A_146 : memref<27456xf32, #tpu.memory_space<hbm>>)
        tpu.yield
      }) : () -> ()
    }
    %scan3A_13 = arith.constant 8 : i32
    return
  }
}

</mosaic_0001>

<sc_bundles>
// kernel: kernel.3.cloned.1.call-start
scs
__scs_entry_jumppad:
0x0: {  	(pc) =	sbr.rel $0x88, $3  }
0x1: {  	(tag) =	ssettag $0x0;
	lr =	simm.s32 $0x1  }
0x2: {  	[smem:$0x3F9E] =	sst lr;
	_ =	strace $0xD0000000  }
0x3: {  	_ = 	snop  }
0x4: {  	_ = 	snop  }
0x5: {  	_ = 	snop  }
0x6: {  	_ = 	snop  }
0x7: {  	_ = 	snop  }
__scs_overlays_trampoline_lowered:
0x8: {  	[smem:$0x3FAD] =	sst s0  }
0x9: {  	[smem:$0x3FAE] =	sst s1  }
0xa: {  	[smem:$0x3FAF] =	sst s2  }
0xb: {  	[smem:$0x3FB0] =	sst s3  }
0xc: {  	[smem:$0x3FB1] =	sst s4  }
0xd: {  	[smem:$0x3FB2] =	sst s5  }
0xe: {  	[smem:$0x3FB3] =	sst s6  }
0xf: {  	[smem:$0x3FB4] =	sst s7  }
0x10: {  	[smem:$0x3FB5] =	sst s8  }
0x11: {  	[smem:$0x3FB6] =	sst s9;
	s0 =	simm.s32 @!p0 $0x0  }
0x12: {  	s1 =	sld [smem:$0x3F9C];
	s0 =	simm.s32 @p0 $0x1  }
0x13: {  	[smem:$0x3FB7] =	sst s0;
	s0 =	simm.s32 @!p1 $0x0  }
0x14: {  	s2 =	sld [smem:$0x3F9B];
	s0 =	simm.s32 @p1 $0x1  }
0x15: {  	[smem:$0x3FB8] =	sst s0;
	s0 =	simm.s32 @!p2 $0x0  }
0x16: {  	s3 =	sld [smem:$0x3FDB];
	s0 =	simm.s32 @p2 $0x1  }
0x17: {  	s4 =	simm.s32 $0x1BF5;
	[smem:$0x3FBA] =	sst s0  }
0x18: {  	s0 =	sld [smem:$0x3F9D];
	_ =	swait.ge [sflag:s4], $0x0  }
0x19: {  	s7 =	sld [smem:$0x3F9E]  }
0x1a: {  	s8 =	sadd.s32 $0xFFFFE003, lr  }
0x1b: {  	s9 =	sadd.s32 $0xFFFFFEF7, lr;
	s5 =	simm.s32 $0xFFFFFFFF;
	p2 =	slt.u32 s8, $0xFFFFF086  }
0x1c: {  	p1 =	slt.u32 s9, $0xF7A;
	s5 =	simm.s32 @!p2 $0x0  }
0x1d: {  	s5 =	simm.s32 @p1 $0x1;
	p0 =	seq.s32 s7, s2  }
0x1e: {  	s7 =	smul.u32 @!p0 $0xF7A, s2;
	p2 =	seq.s32 @!p0 s5, $0x0  }
0x1f: {  	s9 =	smul.u32 $0xF7A, s1;
	s8 =	simm.s32 @!p0 $0x1BF5;
	p2 =	por !p2, p0  }
0x20: {  	[sflag:s8] =	ssyncset.s32 @!p0 $0xFFFFF086;
	s6 =	sadd.s32 @!p0 s3, s7;
	s7 =	simm.s32 @!p0 $0x108  }
0x21: {  	s3 =	sadd.s32 s3, s9;
	s6 =	sadd.s32 @!p0 $0x88, s6;
	s7 =	simm.s32 @p2 $0x1082  }
0x22: {  	[simem:s7], [sflag:s8] =	dma.local @!p0 [hbm:s6], $0xF7A  }
0x23: {  	s9 =	sor.u32 $0xD0000000, s2;
	s6 =	simm.s32 $0x108;
	_ =	swait.ge @!p0 [sflag:s8], $0x0  }
0x24: {  	s3 =	sadd.s32 $0x88, s3;
	s6 =	simm.s32 @!p1 $0x1082;
	[sflag:s4] =	ssyncset.s32 $0xFFFFF086  }
0x25: {  	[simem:s6], [sflag:s4] =	dma.local [hbm:s3], $0xF7A  }
0x26: {  	[smem:$0x3F9E] =	sst s1;
	(tag) =	ssettag s2;
	_ =	strace s9  }
0x27: {  	s1 =	sld [smem:$0x3FAE]  }
0x28: {  	s2 =	sld [smem:$0x3FAF]  }
0x29: {  	s4 =	sld [smem:$0x3FB1]  }
0x2a: {  	p0 =	seq.s32 s5, $0x0;
	s5 =	sld [smem:$0x3FB2]  }
0x2b: {  	s6 =	sld [smem:$0x3FB3]  }
0x2c: {  	s7 =	sld [smem:$0x3FB4]  }
0x2d: {  	s3 =	simm.s32 $0x108;
	s8 =	sld [smem:$0x3FB5]  }
0x2e: {  	s3 =	simm.s32 @!p0 $0x1082;
	s9 =	sld [smem:$0x3FB6]  }
0x2f: {  	lr =	sadd.s32 s0, s3;
	s0 =	sld [smem:$0x3FAD]  }
0x30: {  	s3 =	sld [smem:$0x3FB0]  }
0x31: {  	[smem:$0x3FB9] =	sst s10  }
0x32: {  	s10 =	sld [smem:$0x3FB7];
	_ =	sdelay $0x3  }
0x33: {  	p0 =	seq.s32 s10, $0x1;
	s10 =	sld [smem:$0x3FB9];
	_ =	sdelay $0x3  }
0x34: {  	[smem:$0x3FB9] =	sst s10  }
0x35: {  	s10 =	sld [smem:$0x3FB8];
	_ =	sdelay $0x3  }
0x36: {  	p1 =	seq.s32 s10, $0x1;
	s10 =	sld [smem:$0x3FB9];
	_ =	sdelay $0x3  }
0x37: {  	[smem:$0x3FB9] =	sst s10  }
0x38: {  	s10 =	sld [smem:$0x3FBA]  }
0x39: {  	_ = 	snop;
	(pc) =	sbr.ind lr, $3  }
0x3a: {  	_ = 	snop  }
0x3b: {  	_ = 	snop  }
0x3c: {  	p2 =	seq.s32 s10, $0x1;
	s10 =	sld [smem:$0x3FB9]  }
0x3d: {  	_ =	shalt  }
0x3e: {  	_ =	shalt  }
0x3f: {  	_ =	shalt  }
0x40: {  	_ =	shalt  }
0x41: {  	_ =	shalt  }
0x42: {  	_ =	shalt  }
0x43: {  	_ =	shalt  }
0x44: {  	_ =	shalt  }
0x45: {  	_ =	shalt  }
0x46: {  	_ =	shalt  }
0x47: {  	_ =	shalt  }
0x48: {  	_ =	shalt  }
0x49: {  	_ =	shalt  }
0x4a: {  	_ =	shalt  }
0x4b: {  	_ =	shalt  }
0x4c: {  	_ =	shalt  }
0x4d: {  	_ =	shalt  }
0x4e: {  	_ =	shalt  }
0x4f: {  	_ =	shalt  }
0x50: {  	_ =	shalt  }
0x51: {  	_ =	shalt  }
0x52: {  	_ =	shalt  }
0x53: {  	_ =	shalt  }
0x54: {  	_ =	shalt  }
0x55: {  	_ =	shalt  }
0x56: {  	_ =	shalt  }
0x57: {  	_ =	shalt  }
0x58: {  	_ =	shalt  }
0x59: {  	_ =	shalt  }
0x5a: {  	_ =	shalt  }
0x5b: {  	_ =	shalt  }
0x5c: {  	_ =	shalt  }
0x5d: {  	_ =	shalt  }
0x5e: {  	_ =	shalt  }
0x5f: {  	_ =	shalt  }
0x60: {  	_ =	shalt  }
0x61: {  	_ =	shalt  }
0x62: {  	_ =	shalt  }
0x63: {  	_ =	shalt  }
0x64: {  	_ =	shalt  }
0x65: {  	_ =	shalt  }
0x66: {  	_ =	shalt  }
0x67: {  	_ =	shalt  }
0x68: {  	_ =	shalt  }
0x69: {  	_ =	shalt  }
0x6a: {  	_ =	shalt  }
0x6b: {  	_ =	shalt  }
0x6c: {  	_ =	shalt  }
0x6d: {  	_ =	shalt  }
0x6e: {  	_ =	shalt  }
0x6f: {  	_ =	shalt  }
0x70: {  	_ =	shalt  }
0x71: {  	_ =	shalt  }
0x72: {  	_ =	shalt  }
0x73: {  	_ =	shalt  }
0x74: {  	_ =	shalt  }
0x75: {  	_ =	shalt  }
0x76: {  	_ =	shalt  }
0x77: {  	_ =	shalt  }
0x78: {  	_ =	shalt  }
0x79: {  	_ =	shalt  }
0x7a: {  	_ =	shalt  }
0x7b: {  	_ =	shalt  }
0x7c: {  	_ =	shalt  }
0x7d: {  	_ =	shalt  }
0x7e: {  	_ =	shalt  }
0x7f: {  	_ =	shalt  }
0x80: {  	_ =	shalt  }
0x81: {  	_ =	shalt  }
0x82: {  	_ =	shalt  }
0x83: {  	_ =	shalt  }
0x84: {  	_ =	shalt  }
0x85: {  	_ =	shalt  }
0x86: {  	_ =	shalt  }
0x87: {  	_ =	shalt  }
.Lfunc_end0:
.L_simem_size_0:
called_computation_lowered:
.L_overlay_start_0:
0x88: {  	s2 =	sld [smem:$0x3FD9]  }
0x89: {  	s3 =	sld [smem:$0x3FFE];
	_ =	sdelay $0x1  }
0x8a: {  	s1 =	srdreg.scid  }
0x8b: {  	s0 =	sand.u32 $0x1, s1  }
0x8c: {  	s17 =	sshll.u32 s0, $0xA;
	s2 =	sadd.s32 s3, s2  }
0x8d: {  	s2 =	sadd.s32 s2, s17  }
0x8e: {  	[smem:$0x3FC5] =	sst s2  }
0x8f: {  	_ = 	snop  }
0x90: {  	s2 =	sld [smem:$0x3FD0];
	(tm) =	ssettm $0x1  }
0x91: {  	s18 =	sld [smem:$0x3FFB];
	_ =	sdelay $0x3  }
0x92: {  	_ =	strace s18  }
0x93: {  	s3 =	sld [smem:$0x3FFC];
	_ =	sdelay $0x3  }
0x94: {  	_ =	strace s3  }
0x95: {  	s3 =	sld [smem:$0x3FFD];
	_ =	sdelay $0x3  }
0x96: {  	_ =	strace s3  }
0x97: {  	_ =	strace $0x8FFFFFFF  }
0x98: {  	s19 =	sld [smem:$0x3FDB];
	_ =	sdelay $0x1  }
0x99: {  	s4 =	simm.s32 $_scs_section_size  }
0x9a: {  	s5 =	simm.s32 $_size__tile_overlayer_lowered;
	s6 =	simm.s32 $_tile_overlayer_lowered  }
0x9b: {  	s22 =	simm.s32 $0x1BFF;
	s21 =	sshll.u32 s6, $0x1;
	s3 =	sadd.s32 s4, s19  }
0x9c: {  	s7 =	simm.s32 $0x0;
	s20 =	sshll.u32 s5, $0x1;
	s5 =	sadd.s32 s21, s3  }
0x9d: {  	[timem:s7], [sflag:s22] =	dma.local [hbm:s5], s20  }
0x9e: {  	_ =	swait.ge [sflag:s22], s20  }
0x9f: {  	s4 =	ssub.s32 $0x0, s20;
	[sflag:s22] =	ssyncset.done $0x0  }
0xa0: {  	[sflag:s22] =	ssyncadd.s32 s4;
	_ =	sdelay $0x1  }
0xa1: {  	s23 =	simm.s32 $0x1B8B  }
0xa2: {  	_ =	swait.ge [sflag:s23], $0x1  }
0xa3: {  	[sflag:s23] =	ssyncset.done $0x0  }
0xa4: {  	s25 =	simm.s32 $0x1B8E;
	s24 =	sld [smem:$0x3FFE];
	[sflag:s23] =	ssyncadd.s32 $0xFFFFFFFF  }
0xa5: {  	s26 =	simm.s32 $execute0_lowered;
	[smem:$0x3FD2] =	sst s25  }
0xa6: {  	s5 =	sshll.u32 s26, $0x1;
	_ =	strace $0x80000046;
	[dreg:$0x1] =	wrdreg $0xFFFFFFFF  }
0xa7: {  	s28 =	simm.s32 $_size_execute0_lowered;
	s3 =	sadd.s32 s3, s5;
	[dreg:$0x0] =	wrdreg $0x0  }
0xa8: {  	s5 =	sshll.u32 s28, $0x1;
	[dreg:$0x2] =	wrdreg s3  }
0xa9: {  	[dreg:$0x3] =	wrdreg s5  }
0xaa: {  	[dreg:$0x4] =	wrdreg $0xC0  }
0xab: {  	_ =	task [dreg:s7], $0x5FFFF  }
0xac: {  	[dreg:$0x1] =	wrdreg $0xFFFFFFFF  }
0xad: {  	[dreg:$0x0] =	wrdreg $0x60  }
0xae: {  	[dreg:$0x2] =	wrdreg s24  }
0xaf: {  	[dreg:$0x3] =	wrdreg s2  }
0xb0: {  	[dreg:$0x4] =	wrdreg $0x9  }
0xb1: {  	_ =	task.clear_ibuf [dreg:s7], $0x5FFFF;
	_ =	strace $0x90000046  }
0xb2: {  	s29 =	simm.s32 $0x9;
	_ =	strace $0x80000048  }
0xb3: {  	_ =	swait.ge [sflag:s29], $0x1  }
0xb4: {  	[sflag:s29] =	ssyncadd.s32 $0xFFFFFFFF  }
0xb5: {  	_ =	strace $0x90000048  }
0xb6: {  	_ =	sfence  }
0xb7: {  	s30 =	sld [smem:$0x0];
	_ =	sdelay $0x2  }
0xb8: {  	s31 =	sshll.u32 s1, $0xD;
	s1 =	sshrl.u32 s1, $0x2  }
0xb9: {  	s3 =	sand.u32 $0x4000, s31;
	s1 =	sadd.s32 s1, s30  }
0xba: {  	s0 =	sor.u32 s3, s0;
	s1 =	sshll.u32 s1, $0x11  }
0xbb: {  	s0 =	sor.u32 s1, s0  }
0xbc: {  	s0 =	sadd.s32 $0x8F2B, s0  }
0xbd: {  	[sflag:s0] =	ssyncadd.remote.s32 $0x1  }
0xbe: {  	_ =	sfence.sel $0xFFFF  }
0xbf: {  	[dreg:$0x0] =	wrdreg $0xFFFFFFFF;
	(pc) =	sbr.abs _section_cstart, $3  }
0xc0: {  	[dreg:$0x1] =	wrdreg $0xFFFFFFFF  }
0xc1: {  	_ =	task.clear_ibuf [dreg:s7], $0x2FFFF;
	_ =	strace $0x9FFFFFFF  }
0xc2: {  	(tm) =	ssettm $0x7FFFFFFF  }
0xc3: {  	_ =	shalt  }
tec
execute0_lowered:
.L_overlay_start_1:
0x0: {  	(tag) =	ssettag $0x1  }
0x1: {  	s0 =	rddreg [dreg:$0x0];
	s1 =	simm.s32 $0x0;
	s25 =	srdreg.scid  }
0x2: {  	s3 =	stileid.u32;
	[smem:$0x7FF] =	sst s1;
	s2 =	sadd.s32 $0x4F7800, s0  }
0x3: {  	s26 =	sadd.s32 $0x667000, s0;
	_ =	strace $0x80000047;
	[dreg:$0x5] =	wrdreg s2  }
0x4: {  	s1 =	sand.u32 $0x1, s25;
	s4 =	sadd.s32 $0x504800, s0;
	[dreg:$0x6] =	wrdreg s26  }
0x5: {  	s3 =	sshll.u32 s3, $0x1;
	s0 =	sadd.s32 $0x1E00, s0;
	[dreg:$0x7] =	wrdreg s4  }
0x6: {  	s28 =	ssub.s32 $0x2, s1;
	s1 =	sor.u32 s1, s3;
	[dreg:$0x8] =	wrdreg s0  }
0x7: {  	s29 =	sshrl.u32 s28, $0x1;
	s31 =	smul.u32 $0x3400, s1;
	s1 =	sshll.u32 s1, $0x9  }
0x8: {  	s30 =	ssub.s32 s28, s29;
	[dreg:$0xa] =	wrdreg s1  }
0x9: {  	v0 =	vlaneseq.u32;
	[dreg:$0x9] =	wrdreg s31;
	s0 =	smax.u32 s30, $0x1  }
0xa: {  	v0 =	vmul.u32 $0x186A1, v0;
	s3 =	simm.s32 $0x2;
	s1 =	simm.s32 $0x0;
	[dreg:$0xb] =	wrdreg s0  }
.LBB2_1:
0xb: {  	[dreg:$0xc] =	wrdreg s1  }
0xc: {  	s0 =	simm.s32 $0x0;
	s31 =	rddreg [dreg:$0x6];
	s2 =	simm.s32 $0x680  }
0xd: {  	[tilespmem:s2], [sflag:$0x2] =	stream.linear.gather [hbm4b:s31+s0], $0x680, $0x38;
	[tilespmem:$0x14BA0] =	vst v63  }
0xe: {  	_ =	swait.ge [sflag:s3], $0x680  }
0xf: {  	[sflag:s3] =	ssyncset.done $0x0  }
0x10: {  	s2 =	simm.s32 $0x0;
	[sflag:s3] =	ssyncadd.s32 $0xFFFFF980  }
.LBB2_2:
0x11: {  	s1 =	rddreg [dreg:$0x9]  }
0x12: {  	s0 =	smul.u32 $0x680, s2;
	[dreg:$0xd] =	wrdreg s2  }
0x13: {  	s24 =	rddreg [dreg:$0xa]  }
0x14: {  	s23 =	sshll.u32 s2, $0x6;
	s25 =	rddreg [dreg:$0x5];
	s0 =	sadd.s32 s1, s0  }
0x15: {  	s26 =	simm.s32 $0x0;
	s2 =	sadd.s32 s24, s23;
	s0 =	sshrl.u32 s0, $0x3  }
0x16: {  	[dreg:$0xe] =	wrdreg s2;
	s28 =	smul.u32 $0xD, s2;
	s0 =	sadd.s32 s25, s0  }
0x17: {  	[tilespmem:s26], [sflag:$0x2] =	stream.linear.gather [hbm4b:s0+s26], $0x680, $0x38;
	[tilespmem:$0x14BA0] =	vst v63  }
0x18: {  	_ =	swait.ge [sflag:s3], $0x680  }
0x19: {  	s0 =	sshrl.u32 s28, $0x3;
	[sflag:s3] =	ssyncset.done $0x0;
	s29 =	rddreg [dreg:$0x7]  }
0x1a: {  	s30 =	simm.s32 $0xDD00;
	[sflag:s3] =	ssyncadd.s32 $0xFFFFF980;
	s0 =	sadd.s32 s29, s0  }
0x1b: {  	[tilespmem:s30], [sflag:$0x2] =	stream.linear.gather [hbm4b:s0+s26], $0x340, $0x38;
	[tilespmem:$0x14BA0] =	vst v63  }
0x1c: {  	_ =	swait.ge [sflag:s3], $0x340  }
0x1d: {  	[sflag:s3] =	ssyncset.done $0x0  }
0x1e: {  	s31 =	simm.s32 $0x0;
	[sflag:s3] =	ssyncadd.s32 $0xFFFFFCC0  }
0x1f: {  	v1 =	vld [tilespmem:s31+$0x680]  }
0x20: {  	v2 =	vld [tilespmem:s31+$0x0];
	_ =	sdelay $0x4  }
0x21: {  	v1 =	vadd.s32 v2, v1  }
0x22: {  	v2 =	vbroadcast v1, $0x0  }
0x23: {  	v3 =	vbroadcast v1, $0x1  }
0x24: {  	s0 =	simm.s32 $0xD80;
	v4 =	vbroadcast v1, $0x2;
	v2 =	vadd.s32 v0, v2  }
0x25: {  	v5 =	vbroadcast v1, $0x3;
	v3 =	vadd.s32 v0, v3;
	[tilespmem:s0+$0xFFFFFF80] =	vst v2  }
0x26: {  	v58 =	vbroadcast v1, $0x5;
	v4 =	vadd.s32 v0, v4;
	[tilespmem:s0+$0xFFFFFF90] =	vst v3  }
0x27: {  	v59 =	vbroadcast v1, $0x6;
	v3 =	vadd.s32 v0, v5;
	[tilespmem:s0+$0xFFFFFFA0] =	vst v4  }
0x28: {  	v62 =	vbroadcast v1, $0xB;
	v5 =	vadd.s32 v0, v58;
	[tilespmem:s0+$0xFFFFFFB0] =	vst v3  }
0x29: {  	v2 =	vbroadcast v1, $0x4;
	v4 =	vadd.s32 v0, v59;
	[tilespmem:s0+$0xFFFFFFD0] =	vst v5  }
0x2a: {  	v3 =	vbroadcast v1, $0x7;
	[tilespmem:s0+$0xFFFFFFE0] =	vst v4;
	v5 =	vadd.s32 v0, v62  }
0x2b: {  	v60 =	vbroadcast v1, $0x9;
	v2 =	vadd.s32 v0, v2;
	[tilespmem:s0+$0x30] =	vst v5  }
0x2c: {  	[tilespmem:s0+$0xFFFFFFC0] =	vst v2;
	v2 =	vbroadcast v1, $0x8;
	v3 =	vadd.s32 v0, v3  }
0x2d: {  	v61 =	vbroadcast v1, $0xA;
	[tilespmem:s0+$0xFFFFFFF0] =	vst v3;
	v3 =	vadd.s32 v0, v60  }
0x2e: {  	v63 =	vbroadcast v1, $0xC;
	v2 =	vadd.s32 v0, v2;
	[tilespmem:s0+$0x10] =	vst v3  }
0x2f: {  	v3 =	vbroadcast v1, $0xD;
	[tilespmem:s0+$0x0] =	vst v2;
	v2 =	vadd.s32 v0, v61  }
0x30: {  	v4 =	vadd.s32 v0, v63;
	[tilespmem:s0+$0x20] =	vst v2;
	v2 =	vbroadcast v1, $0xE  }
0x31: {  	[tilespmem:s0+$0x40] =	vst v4;
	v1 =	vbroadcast v1, $0xF;
	v3 =	vadd.s32 v0, v3  }
0x32: {  	[tilespmem:s0+$0x50] =	vst v3;
	v2 =	vadd.s32 v0, v2  }
0x33: {  	v1 =	vadd.s32 v0, v1;
	[tilespmem:s0+$0x60] =	vst v2  }
0x34: {  	s2 =	simm.s32 $0x10;
	[tilespmem:s0+$0x70] =	vst v1  }
0x35: {  	s1 =	simm.s32 $0x80;
	v1 =	vld [tilespmem:s2+$0x680]  }
.LBB2_3:
0x36: {  	p0 =	sne.s32 s1, $0x19C0;
	v2 =	vld [tilespmem:s2+$0x0];
	_ =	sdelay $0x4  }
0x37: {  	v1 =	vadd.s32 v2, v1  }
0x38: {  	v2 =	vbroadcast v1, $0x0;
	v3 =	vbroadcast v1, $0x1  }
0x39: {  	v4 =	vbroadcast v1, $0x2;
	v5 =	vbroadcast v1, $0x3  }
0x3a: {  	s0 =	sadd.s32 $0x100, s0;
	v6 =	vbroadcast v1, $0x4;
	v2 =	vadd.s32 v0, v2;
	v3 =	vadd.s32 v0, v3  }
0x3b: {  	[tilespmem:s0+$0xFFFFFF80] =	vst v2;
	v2 =	vadd.s32 v0, v4;
	v4 =	vadd.s32 v0, v5;
	v5 =	vbroadcast v1, $0x5  }
0x3c: {  	v7 =	vbroadcast v1, $0x7;
	[tilespmem:s0+$0xFFFFFF90] =	vst v3;
	v3 =	vadd.s32 v0, v6;
	v6 =	vbroadcast v1, $0x6  }
0x3d: {  	v8 =	vbroadcast v1, $0x9;
	[tilespmem:s0+$0xFFFFFFA0] =	vst v2;
	v2 =	vadd.s32 v0, v5;
	v5 =	vbroadcast v1, $0x8  }
0x3e: {  	[tilespmem:s0+$0xFFFFFFB0] =	vst v4;
	v4 =	vadd.s32 v0, v6;
	v6 =	vadd.s32 v0, v7;
	v7 =	vbroadcast v1, $0xA  }
0x3f: {  	[tilespmem:s0+$0xFFFFFFC0] =	vst v3;
	v3 =	vadd.s32 v0, v5;
	v5 =	vadd.s32 v0, v8;
	v8 =	vbroadcast v1, $0xB  }
0x40: {  	v9 =	vbroadcast v1, $0xD;
	[tilespmem:s0+$0xFFFFFFD0] =	vst v2;
	v2 =	vadd.s32 v0, v7;
	v7 =	vbroadcast v1, $0xC  }
0x41: {  	[tilespmem:s0+$0xFFFFFFE0] =	vst v4;
	v4 =	vadd.s32 v0, v8;
	v8 =	vbroadcast v1, $0xE;
	v1 =	vbroadcast v1, $0xF  }
0x42: {  	[tilespmem:s0+$0xFFFFFFF0] =	vst v6;
	v6 =	vadd.s32 v0, v7;
	v7 =	vadd.s32 v0, v9  }
0x43: {  	[tilespmem:s0+$0x0] =	vst v3;
	v3 =	vadd.s32 v0, v8;
	v1 =	vadd.s32 v0, v1  }
0x44: {  	[tilespmem:s0+$0x10] =	vst v5  }
0x45: {  	[tilespmem:s0+$0x20] =	vst v2  }
0x46: {  	[tilespmem:s0+$0x30] =	vst v4  }
.Ltmp0:
0x47: {  	[tilespmem:s0+$0x40] =	vst v6;
	(pc) =	sbr.rel @p0 .LBB2_3-.Ltmp0, $4  }
0x48: {  	[tilespmem:s0+$0x50] =	vst v7  }
0x49: {  	[tilespmem:s0+$0x60] =	vst v3  }
0x4a: {  	s2 =	sshra.s32 s1, $0x2;
	[tilespmem:s0+$0x70] =	vst v1  }
0x4b: {  	s1 =	sadd.s32 $0x40, s1;
	v1 =	vld [tilespmem:s2+$0x680]  }
0x4c: {  	v2 =	vld [tilespmem:s2+$0x0];
	_ =	sdelay $0x4  }
0x4d: {  	v1 =	vadd.s32 v2, v1  }
0x4e: {  	v2 =	vbroadcast v1, $0x0  }
0x4f: {  	v3 =	vbroadcast v1, $0x1  }
0x50: {  	s0 =	sadd.s32 $0x100, s0;
	v4 =	vbroadcast v1, $0x2;
	v2 =	vadd.s32 v0, v2  }
0x51: {  	v5 =	vbroadcast v1, $0x3;
	v3 =	vadd.s32 v0, v3;
	[tilespmem:s0+$0xFFFFFF80] =	vst v2  }
0x52: {  	v58 =	vbroadcast v1, $0x5;
	v4 =	vadd.s32 v0, v4;
	[tilespmem:s0+$0xFFFFFF90] =	vst v3  }
0x53: {  	v59 =	vbroadcast v1, $0x6;
	v3 =	vadd.s32 v0, v5;
	[tilespmem:s0+$0xFFFFFFA0] =	vst v4  }
0x54: {  	v62 =	vbroadcast v1, $0xB;
	v5 =	vadd.s32 v0, v58;
	[tilespmem:s0+$0xFFFFFFB0] =	vst v3  }
0x55: {  	v2 =	vbroadcast v1, $0x4;
	v4 =	vadd.s32 v0, v59;
	[tilespmem:s0+$0xFFFFFFD0] =	vst v5  }
0x56: {  	v3 =	vbroadcast v1, $0x7;
	[tilespmem:s0+$0xFFFFFFE0] =	vst v4;
	v5 =	vadd.s32 v0, v62  }
0x57: {  	v60 =	vbroadcast v1, $0x9;
	v2 =	vadd.s32 v0, v2;
	[tilespmem:s0+$0x30] =	vst v5  }
0x58: {  	[tilespmem:s0+$0xFFFFFFC0] =	vst v2;
	v2 =	vbroadcast v1, $0x8;
	v3 =	vadd.s32 v0, v3  }
0x59: {  	v61 =	vbroadcast v1, $0xA;
	[tilespmem:s0+$0xFFFFFFF0] =	vst v3;
	v3 =	vadd.s32 v0, v60  }
0x5a: {  	v63 =	vbroadcast v1, $0xC;
	v2 =	vadd.s32 v0, v2;
	[tilespmem:s0+$0x10] =	vst v3  }
0x5b: {  	v3 =	vbroadcast v1, $0xD;
	[tilespmem:s0+$0x0] =	vst v2;
	v2 =	vadd.s32 v0, v61  }
0x5c: {  	v4 =	vadd.s32 v0, v63;
	[tilespmem:s0+$0x20] =	vst v2;
	v2 =	vbroadcast v1, $0xE  }
0x5d: {  	[tilespmem:s0+$0x40] =	vst v4;
	v1 =	vbroadcast v1, $0xF;
	v3 =	vadd.s32 v0, v3  }
0x5e: {  	[tilespmem:s0+$0x50] =	vst v3;
	v2 =	vadd.s32 v0, v2  }
0x5f: {  	v1 =	vadd.s32 v0, v1;
	[tilespmem:s0+$0x60] =	vst v2  }
0x60: {  	s15 =	rddreg [dreg:$0x8];
	s1 =	simm.s32 $0xD00;
	s16 =	simm.s32 $0x7500;
	[tilespmem:s0+$0x70] =	vst v1  }
0x61: {  	[tilespmem:s16], [sflag:$0x1] =	stream.indirect.gather [hbm4b:s15+s1], $0x1, s1, s1, $0xb8;
	[tilespmem:$0x14BA0] =	vst v63  }
0x62: {  	s17 =	simm.s32 $0x1A00;
	s3 =	simm.s32 $0x8200  }
0x63: {  	[tilespmem:s3], [sflag:$0x1] =	stream.indirect.gather [hbm4b:s15+s1], $0x1, s17, s1, $0xb8;
	[tilespmem:$0x14BA0] =	vst v63  }
0x64: {  	s18 =	simm.s32 $0x2700;
	s19 =	simm.s32 $0x8F00  }
0x65: {  	[tilespmem:s19], [sflag:$0x1] =	stream.indirect.gather [hbm4b:s15+s1], $0x1, s18, s1, $0xb8;
	[tilespmem:$0x14BA0] =	vst v63  }
0x66: {  	s20 =	simm.s32 $0x3400;
	s21 =	simm.s32 $0x9C00  }
0x67: {  	[tilespmem:s21], [sflag:$0x1] =	stream.indirect.gather [hbm4b:s15+s1], $0x1, s20, s1, $0xb8;
	[tilespmem:$0x14BA0] =	vst v63  }
0x68: {  	s22 =	simm.s32 $0x4100;
	s23 =	simm.s32 $0xA900  }
0x69: {  	[tilespmem:s23], [sflag:$0x1] =	stream.indirect.gather [hbm4b:s15+s1], $0x1, s22, s1, $0xb8;
	[tilespmem:$0x14BA0] =	vst v63  }
0x6a: {  	s24 =	simm.s32 $0x4E00;
	s25 =	simm.s32 $0xB600  }
0x6b: {  	[tilespmem:s25], [sflag:$0x1] =	stream.indirect.gather [hbm4b:s15+s1], $0x1, s24, s1, $0xb8;
	[tilespmem:$0x14BA0] =	vst v63  }
0x6c: {  	s26 =	simm.s32 $0x5B00;
	s28 =	simm.s32 $0xC300  }
0x6d: {  	[tilespmem:s28], [sflag:$0x1] =	stream.indirect.gather [hbm4b:s15+s1], $0x1, s26, s1, $0xb8;
	[tilespmem:$0x14BA0] =	vst v63  }
0x6e: {  	s29 =	simm.s32 $0x6800;
	s30 =	simm.s32 $0xD000;
	s0 =	simm.s32 $0xDD00  }
0x6f: {  	[tilespmem:s30], [sflag:$0x1] =	stream.indirect.gather [hbm4b:s15+s1], $0x1, s29, s1, $0xb8;
	[tilespmem:$0x14BA0] =	vst v63  }
0x70: {  	v1 =	vld [tilespmem:s0+$0x0];
	_ =	sdelay $0x1  }
0x71: {  	s31 =	simm.s32 $0x0  }
0x72: {  	s2 =	sand.u32 $0x7FFF, s31;
	s1 =	simm.s32 $0x1AD  }
.LBB2_5:
0x73: {  	p0 =	sne.s32 s1, $0x6993  }
0x74: {  	[tilespmem:s2+$0xE1F0] =	vst v1;
	s0 =	sadd.s32 $0xD, s0;
	s2 =	smov.u32 s1;
	s1 =	sadd.s32 $0x1AD, s1  }
.Ltmp1:
0x75: {  	v1 =	vld [tilespmem:s0+$0x0];
	(pc) =	sbr.rel @p0 .LBB2_5-.Ltmp1, $2  }
0x76: {  	_ =	sdelay $0x2  }
0x77: {  	s2 =	sand.u32 $0x7FFF, s2  }
0x78: {  	[tilespmem:s2+$0xE1F0] =	vst v1;
	s0 =	simm.s32 $0x1  }
0x79: {  	_ =	swait.ge [sflag:s0], $0xD00  }
0x7a: {  	[sflag:s0] =	ssyncset.done $0x0  }
0x7b: {  	[sflag:s0] =	ssyncadd.s32 $0xFFFFF300  }
0x7c: {  	_ =	swait.ge [sflag:s0], $0xD00  }
0x7d: {  	[sflag:s0] =	ssyncset.done $0x0  }
0x7e: {  	[sflag:s0] =	ssyncadd.s32 $0xFFFFF300  }
0x7f: {  	_ =	swait.ge [sflag:s0], $0xD00  }
0x80: {  	[sflag:s0] =	ssyncset.done $0x0  }
0x81: {  	[sflag:s0] =	ssyncadd.s32 $0xFFFFF300  }
0x82: {  	_ =	swait.ge [sflag:s0], $0xD00  }
0x83: {  	[sflag:s0] =	ssyncset.done $0x0  }
0x84: {  	[sflag:s0] =	ssyncadd.s32 $0xFFFFF300  }
0x85: {  	_ =	swait.ge [sflag:s0], $0xD00  }
0x86: {  	[sflag:s0] =	ssyncset.done $0x0  }
0x87: {  	[sflag:s0] =	ssyncadd.s32 $0xFFFFF300  }
0x88: {  	_ =	swait.ge [sflag:s0], $0xD00  }
0x89: {  	[sflag:s0] =	ssyncset.done $0x0  }
0x8a: {  	[sflag:s0] =	ssyncadd.s32 $0xFFFFF300  }
0x8b: {  	_ =	swait.ge [sflag:s0], $0xD00  }
0x8c: {  	[sflag:s0] =	ssyncset.done $0x0  }
0x8d: {  	[sflag:s0] =	ssyncadd.s32 $0xFFFFF300  }
0x8e: {  	_ =	swait.ge [sflag:s0], $0xD00  }
0x8f: {  	[sflag:s0] =	ssyncset.done $0x0  }
0x90: {  	s30 =	simm.s32 $0x0;
	[sflag:s0] =	ssyncadd.s32 $0xFFFFF300  }
0x91: {  	v1 =	vld [tilespmem:s30+$0x0];
	_ =	sdelay $0x4  }
0x92: {  	(v2sf) =	vpush v1, $0x0;
	_ =	sdelay $0x6  }
0x93: {  	(v2sf) =	vpush v1, $0x1;
	_ =	sdelay $0x3  }
0x94: {  	s1 =	smulhi.u32 $0x4EC4EC4F, s30;
	s0 =	simm.s32 $0x0  }
0x95: {  	v2 =	vld [tilespmem:s0+$0x7500]  }
0x96: {  	s1 =	sshrl.u32 s1, $0x3  }
0x97: {  	s1 =	smul.u32 $0x34, s1;
	(v2sf) =	vpush v1, $0x2  }
0x98: {  	s15 =	spop (v2sf)  }
0x99: {  	s1 =	sshra.s32 s1, $0x2;
	p0 =	seq.s32 s15, $0x0  }
0x9a: {  	s1 =	sadd.s32 $0x0, s1;
	v2 =	vpsel p0, $0x0, v2  }
0x9b: {  	[tilespmem:s1+$0xE050] =	vst v2  }
0x9c: {  	v2 =	vld [tilespmem:s0+$0x7510];
	_ =	sdelay $0x1  }
0x9d: {  	(v2sf) =	vpush v1, $0x3  }
0x9e: {  	s16 =	spop (v2sf)  }
0x9f: {  	p4 =	seq.s32 s16, $0x0  }
0xa0: {  	s17 =	simm.s32 $0x2;
	v2 =	vpsel p4, $0x0, v2  }
0xa1: {  	s2 =	smulhi.u32 $0x4EC4EC4F, s17;
	[tilespmem:s1+$0xE060] =	vst v2  }
0xa2: {  	v2 =	vld [tilespmem:s0+$0x7520]  }
0xa3: {  	s18 =	sshrl.u32 s2, $0x3  }
0xa4: {  	(v2sf) =	vpush v1, $0x4;
	s1 =	smul.u32 $0x34, s18  }
0xa5: {  	s19 =	spop (v2sf)  }
0xa6: {  	p5 =	seq.s32 s19, $0x0;
	s1 =	sshra.s32 s1, $0x2  }
0xa7: {  	s20 =	simm.s32 $0x3;
	s1 =	sadd.s32 $0x0, s1;
	v2 =	vpsel p5, $0x0, v2  }
0xa8: {  	s2 =	smulhi.u32 $0x4EC4EC4F, s20;
	[tilespmem:s1+$0xE070] =	vst v2  }
0xa9: {  	v2 =	vld [tilespmem:s0+$0x7530]  }
0xaa: {  	s21 =	sshrl.u32 s2, $0x3  }
0xab: {  	(v2sf) =	vpush v1, $0x5;
	s1 =	smul.u32 $0x34, s21  }
0xac: {  	s22 =	spop (v2sf)  }
0xad: {  	p6 =	seq.s32 s22, $0x0;
	s1 =	sshra.s32 s1, $0x2  }
0xae: {  	s23 =	simm.s32 $0x4;
	s1 =	sadd.s32 $0x0, s1;
	v2 =	vpsel p6, $0x0, v2  }
0xaf: {  	s2 =	smulhi.u32 $0x4EC4EC4F, s23;
	[tilespmem:s1+$0xE080] =	vst v2  }
0xb0: {  	v2 =	vld [tilespmem:s0+$0x7540]  }
0xb1: {  	s24 =	sshrl.u32 s2, $0x3  }
0xb2: {  	(v2sf) =	vpush v1, $0x6;
	s1 =	smul.u32 $0x34, s24  }
0xb3: {  	s25 =	spop (v2sf)  }
0xb4: {  	p1 =	seq.s32 s25, $0x0;
	s1 =	sshra.s32 s1, $0x2  }
0xb5: {  	s26 =	simm.s32 $0x5;
	s1 =	sadd.s32 $0x0, s1;
	v2 =	vpsel p1, $0x0, v2  }
0xb6: {  	s2 =	smulhi.u32 $0x4EC4EC4F, s26;
	[tilespmem:s1+$0xE090] =	vst v2  }
0xb7: {  	v2 =	vld [tilespmem:s0+$0x7550]  }
0xb8: {  	s28 =	sshrl.u32 s2, $0x3  }
0xb9: {  	(v2sf) =	vpush v1, $0x7;
	s1 =	smul.u32 $0x34, s28  }
0xba: {  	s29 =	spop (v2sf)  }
0xbb: {  	p2 =	seq.s32 s29, $0x0;
	s1 =	sshra.s32 s1, $0x2  }
0xbc: {  	s31 =	simm.s32 $0x6;
	s1 =	sadd.s32 $0x0, s1;
	v2 =	vpsel p2, $0x0, v2  }
0xbd: {  	s2 =	smulhi.u32 $0x4EC4EC4F, s31;
	[tilespmem:s1+$0xE0A0] =	vst v2  }
0xbe: {  	v2 =	vld [tilespmem:s0+$0x7560]  }
0xbf: {  	s2 =	sshrl.u32 s2, $0x3  }
0xc0: {  	(v2sf) =	vpush v1, $0x8;
	s1 =	smul.u32 $0x34, s2  }
0xc1: {  	s3 =	spop (v2sf)  }
0xc2: {  	p3 =	seq.s32 s3, $0x0;
	s1 =	sshra.s32 s1, $0x2  }
0xc3: {  	s4 =	simm.s32 $0x7;
	s1 =	sadd.s32 $0x0, s1;
	v2 =	vpsel p3, $0x0, v2  }
0xc4: {  	s2 =	smulhi.u32 $0x4EC4EC4F, s4;
	[tilespmem:s1+$0xE0B0] =	vst v2  }
0xc5: {  	v2 =	vld [tilespmem:s0+$0x7570]  }
0xc6: {  	s5 =	sshrl.u32 s2, $0x3  }
0xc7: {  	(v2sf) =	vpush v1, $0x9;
	s1 =	smul.u32 $0x34, s5  }
0xc8: {  	s6 =	spop (v2sf)  }
0xc9: {  	p4 =	seq.s32 s6, $0x0;
	s1 =	sshra.s32 s1, $0x2  }
0xca: {  	s7 =	simm.s32 $0x8;
	s1 =	sadd.s32 $0x0, s1;
	v2 =	vpsel p4, $0x0, v2  }
0xcb: {  	s2 =	smulhi.u32 $0x4EC4EC4F, s7;
	[tilespmem:s1+$0xE0C0] =	vst v2  }
0xcc: {  	v2 =	vld [tilespmem:s0+$0x7580]  }
0xcd: {  	s8 =	sshrl.u32 s2, $0x3  }
0xce: {  	(v2sf) =	vpush v1, $0xA;
	s1 =	smul.u32 $0x34, s8  }
0xcf: {  	s9 =	spop (v2sf)  }
0xd0: {  	p5 =	seq.s32 s9, $0x0;
	s1 =	sshra.s32 s1, $0x2  }
0xd1: {  	s10 =	simm.s32 $0x9;
	s1 =	sadd.s32 $0x0, s1;
	v2 =	vpsel p5, $0x0, v2  }
0xd2: {  	s2 =	smulhi.u32 $0x4EC4EC4F, s10;
	[tilespmem:s1+$0xE0D0] =	vst v2  }
0xd3: {  	v2 =	vld [tilespmem:s0+$0x7590]  }
0xd4: {  	s11 =	sshrl.u32 s2, $0x3  }
0xd5: {  	(v2sf) =	vpush v1, $0xB;
	s1 =	smul.u32 $0x34, s11  }
0xd6: {  	s12 =	spop (v2sf)  }
0xd7: {  	p6 =	seq.s32 s12, $0x0;
	s1 =	sshra.s32 s1, $0x2  }
0xd8: {  	s13 =	simm.s32 $0xA;
	s1 =	sadd.s32 $0x0, s1;
	v2 =	vpsel p6, $0x0, v2  }
0xd9: {  	s2 =	smulhi.u32 $0x4EC4EC4F, s13;
	[tilespmem:s1+$0xE0E0] =	vst v2  }
0xda: {  	v2 =	vld [tilespmem:s0+$0x75A0]  }
0xdb: {  	s14 =	sshrl.u32 s2, $0x3  }
0xdc: {  	(v2sf) =	vpush v1, $0xC;
	s1 =	smul.u32 $0x34, s14  }
0xdd: {  	s15 =	spop (v2sf)  }
0xde: {  	p1 =	seq.s32 s15, $0x0;
	s1 =	sshra.s32 s1, $0x2  }
0xdf: {  	s16 =	simm.s32 $0xB;
	s1 =	sadd.s32 $0x0, s1;
	v2 =	vpsel p1, $0x0, v2  }
0xe0: {  	s2 =	smulhi.u32 $0x4EC4EC4F, s16;
	[tilespmem:s1+$0xE0F0] =	vst v2  }
0xe1: {  	v2 =	vld [tilespmem:s0+$0x75B0]  }
0xe2: {  	s17 =	sshrl.u32 s2, $0x3  }
0xe3: {  	(v2sf) =	vpush v1, $0xD;
	s1 =	smul.u32 $0x34, s17  }
0xe4: {  	s18 =	spop (v2sf)  }
0xe5: {  	p2 =	seq.s32 s18, $0x0;
	s1 =	sshra.s32 s1, $0x2  }
0xe6: {  	s19 =	simm.s32 $0xC;
	s1 =	sadd.s32 $0x0, s1;
	v2 =	vpsel p2, $0x0, v2  }
0xe7: {  	s2 =	smulhi.u32 $0x4EC4EC4F, s19;
	[tilespmem:s1+$0xE100] =	vst v2  }
0xe8: {  	v2 =	vld [tilespmem:s0+$0x75C0]  }
0xe9: {  	s20 =	sshrl.u32 s2, $0x3  }
0xea: {  	(v2sf) =	vpush v1, $0xE;
	s1 =	smul.u32 $0x34, s20  }
0xeb: {  	s21 =	spop (v2sf)  }
0xec: {  	p3 =	seq.s32 s21, $0x0;
	s1 =	sshra.s32 s1, $0x2  }
0xed: {  	s22 =	simm.s32 $0xD;
	(v2sf) =	vpush v1, $0xF;
	s1 =	sadd.s32 $0x0, s1;
	v1 =	vpsel p3, $0x0, v2  }
0xee: {  	s2 =	smulhi.u32 $0x4EC4EC4F, s22;
	[tilespmem:s1+$0xE110] =	vst v1  }
0xef: {  	v1 =	vld [tilespmem:s0+$0x75D0]  }
0xf0: {  	s23 =	sshrl.u32 s2, $0x3  }
0xf1: {  	s1 =	smul.u32 $0x34, s23  }
0xf2: {  	s24 =	spop (v2sf)  }
0xf3: {  	p4 =	seq.s32 s24, $0x0;
	s1 =	sshra.s32 s1, $0x2  }
0xf4: {  	s25 =	simm.s32 $0xE;
	s1 =	sadd.s32 $0x0, s1;
	v1 =	vpsel p4, $0x0, v1  }
0xf5: {  	s2 =	smulhi.u32 $0x4EC4EC4F, s25;
	[tilespmem:s1+$0xE120] =	vst v1  }
0xf6: {  	v1 =	vld [tilespmem:s0+$0x75E0]  }
0xf7: {  	s26 =	sshrl.u32 s2, $0x3  }
0xf8: {  	s1 =	smul.u32 $0x34, s26  }
0xf9: {  	s3 =	simm.s32 $0xF;
	s28 =	spop (v2sf)  }
0xfa: {  	s4 =	smulhi.u32 $0x4EC4EC4F, s3;
	p5 =	seq.s32 s28, $0x0;
	s1 =	sshra.s32 s1, $0x2  }
0xfb: {  	s29 =	sadd.s32 $0x0, s1;
	v1 =	vpsel p5, $0x0, v1  }
0xfc: {  	s31 =	sshrl.u32 s4, $0x3;
	s13 =	simm.s32 $0x16;
	s16 =	simm.s32 $0x17;
	[tilespmem:s29+$0xE130] =	vst v1  }
0xfd: {  	s15 =	simm.s32 $0x18;
	s18 =	simm.s32 $0x19;
	s19 =	simm.s32 $0x1A;
	v1 =	vld [tilespmem:s0+$0x75F0]  }
0xfe: {  	s22 =	simm.s32 $0x1B;
	s25 =	simm.s32 $0x12;
	s2 =	simm.s32 $0x1C  }
0xff: {  	s21 =	simm.s32 $0x13;
	s5 =	spop (v2sf);
	s0 =	smul.u32 $0x34, s31  }
0x100: {  	s24 =	simm.s32 $0x1E;
	s17 =	simm.s32 $0x15;
	p6 =	seq.s32 s5, $0x0  }
0x101: {  	s20 =	simm.s32 $0x14;
	s23 =	simm.s32 $0x1D;
	s0 =	sshra.s32 s0, $0x2  }
0x102: {  	s26 =	simm.s32 $0x0;
	s1 =	simm.s32 $0x400;
	s0 =	sadd.s32 $0x0, s0;
	v1 =	vpsel p6, $0x0, v1  }
.LBB2_7:
0x103: {  	[tilespmem:s0+$0xE140] =	vst v1;
	s30 =	sadd.s32 $0x10, s30  }
0x104: {  	v1 =	vld [tilespmem:s30+$0x0];
	_ =	sdelay $0x4  }
0x105: {  	(v2sf) =	vpush v1, $0x0;
	_ =	sdelay $0x2  }
0x106: {  	(v2sf) =	vpush v1, $0x1  }
0x107: {  	(v2sf) =	vpush v1, $0x2  }
0x108: {  	(v2sf) =	vpush v1, $0x3  }
0x109: {  	(v2sf) =	vpush v1, $0x4  }
0x10a: {  	(v2sf) =	vpush v1, $0x5  }
0x10b: {  	(v2sf) =	vpush v1, $0x6  }
0x10c: {  	(v2sf) =	vpush v1, $0x7  }
0x10d: {  	s26 =	sadd.s32 $0x10, s26;
	s6 =	smov.u32 s1;
	(v2sf) =	vpush v1, $0x8  }
0x10e: {  	s4 =	smulhi.u32 $0x4EC4EC4F, s26;
	s28 =	sshra.s32 s6, $0x2;
	(v2sf) =	vpush v1, $0x9  }
0x10f: {  	v2 =	vld [tilespmem:s28+$0x7500];
	(v2sf) =	vpush v1, $0xA  }
0x110: {  	s7 =	sshrl.u32 s4, $0x3;
	(v2sf) =	vpush v1, $0xB  }
0x111: {  	s0 =	smul.u32 $0x34, s7;
	(v2sf) =	vpush v1, $0xC  }
0x112: {  	(v2sf) =	vpush v1, $0xD;
	s8 =	spop (v2sf)  }
0x113: {  	s0 =	sshra.s32 s0, $0x2;
	(v2sf) =	vpush v1, $0xE;
	p1 =	seq.s32 s8, $0x0  }
0x114: {  	s0 =	sadd.s32 s28, s0;
	(v2sf) =	vpush v1, $0xF;
	v1 =	vpsel p1, $0x0, v2  }
0x115: {  	s9 =	spop (v2sf);
	[tilespmem:s0+$0xE050] =	vst v1  }
0x116: {  	s29 =	spop (v2sf);
	v1 =	vld [tilespmem:s28+$0x7510]  }
0x117: {  	s31 =	spop (v2sf)  }
0x118: {  	s11 =	spop (v2sf)  }
0x119: {  	s7 =	spop (v2sf)  }
0x11a: {  	p2 =	seq.s32 s9, $0x0;
	s12 =	spop (v2sf)  }
0x11b: {  	s14 =	spop (v2sf);
	v1 =	vpsel p2, $0x0, v1  }
0x11c: {  	s10 =	smulhi.u32 $0x4EC4EC4F, s25;
	s5 =	spop (v2sf);
	[tilespmem:s0+$0xE060] =	vst v1  }
0x11d: {  	s9 =	spop (v2sf);
	v1 =	vld [tilespmem:s28+$0x7520]  }
0x11e: {  	s10 =	sshrl.u32 s10, $0x3;
	s8 =	spop (v2sf)  }
0x11f: {  	s0 =	smul.u32 $0x34, s10;
	s6 =	spop (v2sf)  }
0x120: {  	s4 =	spop (v2sf)  }
0x121: {  	p3 =	seq.s32 s29, $0x0;
	s0 =	sshra.s32 s0, $0x2;
	s10 =	spop (v2sf)  }
0x122: {  	s0 =	sadd.s32 s28, s0;
	[dreg:$0x4] =	wrdreg s10;
	s10 =	spop (v2sf);
	v1 =	vpsel p3, $0x0, v1  }
0x123: {  	[dreg:$0x3] =	wrdreg s10;
	s10 =	smulhi.u32 $0x4EC4EC4F, s21;
	[tilespmem:s0+$0xE070] =	vst v1  }
0x124: {  	v1 =	vld [tilespmem:s28+$0x7530]  }
0x125: {  	s10 =	sshrl.u32 s10, $0x3  }
0x126: {  	s0 =	smul.u32 $0x34, s10;
	_ =	sdelay $0x1  }
0x127: {  	p4 =	seq.s32 s31, $0x0;
	s0 =	sshra.s32 s0, $0x2  }
0x128: {  	s0 =	sadd.s32 s28, s0;
	v1 =	vpsel p4, $0x0, v1  }
0x129: {  	s31 =	smulhi.u32 $0x4EC4EC4F, s20;
	[tilespmem:s0+$0xE080] =	vst v1  }
0x12a: {  	v1 =	vld [tilespmem:s28+$0x7540]  }
0x12b: {  	s10 =	sshrl.u32 s31, $0x3  }
0x12c: {  	s0 =	smul.u32 $0x34, s10;
	_ =	sdelay $0x1  }
0x12d: {  	p5 =	seq.s32 s11, $0x0;
	s0 =	sshra.s32 s0, $0x2  }
0x12e: {  	s0 =	sadd.s32 s28, s0;
	v1 =	vpsel p5, $0x0, v1  }
0x12f: {  	s31 =	smulhi.u32 $0x4EC4EC4F, s17;
	[tilespmem:s0+$0xE090] =	vst v1  }
0x130: {  	v1 =	vld [tilespmem:s28+$0x7550]  }
0x131: {  	s11 =	sshrl.u32 s31, $0x3  }
0x132: {  	s0 =	smul.u32 $0x34, s11;
	_ =	sdelay $0x1  }
0x133: {  	p6 =	seq.s32 s7, $0x0;
	s0 =	sshra.s32 s0, $0x2  }
0x134: {  	s0 =	sadd.s32 s28, s0;
	v1 =	vpsel p6, $0x0, v1  }
0x135: {  	s31 =	smulhi.u32 $0x4EC4EC4F, s13;
	[tilespmem:s0+$0xE0A0] =	vst v1  }
0x136: {  	v1 =	vld [tilespmem:s28+$0x7560]  }
0x137: {  	s7 =	sshrl.u32 s31, $0x3  }
0x138: {  	s0 =	smul.u32 $0x34, s7;
	_ =	sdelay $0x1  }
0x139: {  	p2 =	seq.s32 s12, $0x0;
	s0 =	sshra.s32 s0, $0x2  }
0x13a: {  	s0 =	sadd.s32 s28, s0;
	v1 =	vpsel p2, $0x0, v1  }
0x13b: {  	s10 =	smulhi.u32 $0x4EC4EC4F, s16;
	[tilespmem:s0+$0xE0B0] =	vst v1  }
0x13c: {  	v1 =	vld [tilespmem:s28+$0x7570]  }
0x13d: {  	s11 =	sshrl.u32 s10, $0x3  }
0x13e: {  	s0 =	smul.u32 $0x34, s11;
	_ =	sdelay $0x1  }
0x13f: {  	p3 =	seq.s32 s14, $0x0;
	s0 =	sshra.s32 s0, $0x2  }
0x140: {  	s0 =	sadd.s32 s28, s0;
	v1 =	vpsel p3, $0x0, v1  }
0x141: {  	s12 =	smulhi.u32 $0x4EC4EC4F, s15;
	[tilespmem:s0+$0xE0C0] =	vst v1  }
0x142: {  	v1 =	vld [tilespmem:s28+$0x7580]  }
0x143: {  	s14 =	sshrl.u32 s12, $0x3  }
0x144: {  	s0 =	smul.u32 $0x34, s14;
	_ =	sdelay $0x1  }
0x145: {  	p4 =	seq.s32 s5, $0x0;
	s0 =	sshra.s32 s0, $0x2  }
0x146: {  	s0 =	sadd.s32 s28, s0;
	v1 =	vpsel p4, $0x0, v1  }
0x147: {  	s31 =	smulhi.u32 $0x4EC4EC4F, s18;
	[tilespmem:s0+$0xE0D0] =	vst v1  }
0x148: {  	v1 =	vld [tilespmem:s28+$0x7590]  }
0x149: {  	s7 =	sshrl.u32 s31, $0x3  }
0x14a: {  	s0 =	smul.u32 $0x34, s7;
	_ =	sdelay $0x1  }
0x14b: {  	p5 =	seq.s32 s9, $0x0;
	s0 =	sshra.s32 s0, $0x2  }
0x14c: {  	s0 =	sadd.s32 s28, s0;
	v1 =	vpsel p5, $0x0, v1  }
0x14d: {  	s10 =	smulhi.u32 $0x4EC4EC4F, s19;
	[tilespmem:s0+$0xE0E0] =	vst v1  }
0x14e: {  	v1 =	vld [tilespmem:s28+$0x75A0]  }
0x14f: {  	s11 =	sshrl.u32 s10, $0x3  }
0x150: {  	s0 =	smul.u32 $0x34, s11;
	_ =	sdelay $0x1  }
0x151: {  	p6 =	seq.s32 s8, $0x0;
	s0 =	sshra.s32 s0, $0x2  }
0x152: {  	s0 =	sadd.s32 s28, s0;
	v1 =	vpsel p6, $0x0, v1  }
0x153: {  	s12 =	smulhi.u32 $0x4EC4EC4F, s22;
	[tilespmem:s0+$0xE0F0] =	vst v1  }
0x154: {  	v1 =	vld [tilespmem:s28+$0x75B0]  }
0x155: {  	s14 =	sshrl.u32 s12, $0x3  }
0x156: {  	s0 =	smul.u32 $0x34, s14;
	_ =	sdelay $0x1  }
0x157: {  	p2 =	seq.s32 s6, $0x0;
	s0 =	sshra.s32 s0, $0x2  }
0x158: {  	s0 =	sadd.s32 s28, s0;
	v1 =	vpsel p2, $0x0, v1  }
0x159: {  	s31 =	smulhi.u32 $0x4EC4EC4F, s2;
	[tilespmem:s0+$0xE100] =	vst v1  }
0x15a: {  	v1 =	vld [tilespmem:s28+$0x75C0]  }
0x15b: {  	s6 =	sshrl.u32 s31, $0x3  }
0x15c: {  	s0 =	smul.u32 $0x34, s6;
	_ =	sdelay $0x1  }
0x15d: {  	p3 =	seq.s32 s4, $0x0;
	s0 =	sshra.s32 s0, $0x2  }
0x15e: {  	s0 =	sadd.s32 s28, s0;
	v1 =	vpsel p3, $0x0, v1  }
0x15f: {  	s7 =	smulhi.u32 $0x4EC4EC4F, s23;
	[tilespmem:s0+$0xE110] =	vst v1  }
0x160: {  	v1 =	vld [tilespmem:s28+$0x75D0]  }
0x161: {  	s8 =	sshrl.u32 s7, $0x3  }
0x162: {  	s0 =	smul.u32 $0x34, s8  }
0x163: {  	s9 =	rddreg [dreg:$0x4]  }
0x164: {  	p4 =	seq.s32 s9, $0x0;
	s0 =	sshra.s32 s0, $0x2  }
0x165: {  	s0 =	sadd.s32 s28, s0;
	v1 =	vpsel p4, $0x0, v1  }
0x166: {  	s10 =	smulhi.u32 $0x4EC4EC4F, s24;
	[tilespmem:s0+$0xE120] =	vst v1  }
0x167: {  	v1 =	vld [tilespmem:s28+$0x75E0]  }
0x168: {  	s11 =	sshrl.u32 s10, $0x3  }
0x169: {  	s0 =	smul.u32 $0x34, s11  }
0x16a: {  	s12 =	rddreg [dreg:$0x3]  }
0x16b: {  	s3 =	sadd.s32 $0x10, s3;
	p5 =	seq.s32 s12, $0x0;
	s0 =	sshra.s32 s0, $0x2  }
0x16c: {  	p0 =	sne.s32 s1, $0x19C00;
	s1 =	sadd.s32 $0x400, s1;
	s0 =	sadd.s32 s28, s0;
	v1 =	vpsel p5, $0x0, v1  }
0x16d: {  	s25 =	sadd.s32 $0x10, s25;
	s20 =	sadd.s32 $0x10, s20;
	s14 =	smulhi.u32 $0x4EC4EC4F, s3;
	[tilespmem:s0+$0xE130] =	vst v1  }
0x16e: {  	s15 =	sadd.s32 $0x10, s15;
	s29 =	spop (v2sf);
	s21 =	sadd.s32 $0x10, s21;
	v1 =	vld [tilespmem:s28+$0x75F0]  }
.Ltmp2:
0x16f: {  	s22 =	sadd.s32 $0x10, s22;
	s31 =	sshrl.u32 s14, $0x3;
	(pc) =	sbr.rel @p0 .LBB2_7-.Ltmp2, $4  }
0x170: {  	s17 =	sadd.s32 $0x10, s17;
	s13 =	sadd.s32 $0x10, s13;
	s0 =	smul.u32 $0x34, s31  }
0x171: {  	s18 =	sadd.s32 $0x10, s18;
	s16 =	sadd.s32 $0x10, s16;
	s19 =	sadd.s32 $0x10, s19  }
0x172: {  	s2 =	sadd.s32 $0x10, s2;
	p6 =	seq.s32 s29, $0x0;
	s0 =	sshra.s32 s0, $0x2  }
0x173: {  	s24 =	sadd.s32 $0x10, s24;
	s23 =	sadd.s32 $0x10, s23;
	s0 =	sadd.s32 s28, s0;
	v1 =	vpsel p6, $0x0, v1  }
0x174: {  	s1 =	rddreg [dreg:$0xe]  }
0x175: {  	s1 =	smul.u32 $0x1AD, s1;
	_ =	sdelay $0x1  }
0x176: {  	s29 =	rddreg [dreg:$0x1];
	s30 =	simm.s32 $0x0;
	s1 =	sshrl.u32 s1, $0x3  }
0x177: {  	[tilespmem:s0+$0xE140] =	vst v1;
	s2 =	simm.s32 $0xE050;
	s3 =	simm.s32 $0x2;
	s0 =	sadd.s32 s29, s1  }
0x178: {  	[hbm4b:s0+s30] =	stream.linear.scatter [tilespmem:s2], [sflag:$0x2], $0x6B40, $0x38;
	[tilespmem:$0x14BA0] =	vst v63  }
0x179: {  	_ =	swait.ge [sflag:s3], $0x6B40  }
0x17a: {  	s31 =	rddreg [dreg:$0xd]  }
0x17b: {  	s2 =	sadd.s32 $0x1, s31  }
0x17c: {  	p0 =	sne.s32 s2, $0x8  }
.Ltmp3:
0x17d: {  	_ = 	snop;
	(pc) =	sbr.rel @p0 .LBB2_2-.Ltmp3, $3  }
0x17e: {  	_ =	sdelay $0x1  }
0x17f: {  	[sflag:s3] =	ssyncset.done $0x0  }
0x180: {  	[sflag:s3] =	ssyncadd.s32 $0xFFFF94C0  }
0x181: {  	s1 =	rddreg [dreg:$0xc]  }
0x182: {  	s0 =	rddreg [dreg:$0xb];
	s1 =	sadd.s32 $0x1, s1  }
0x183: {  	p0 =	sne.s32 s1, s0  }
.Ltmp4:
0x184: {  	_ = 	snop;
	(pc) =	sbr.rel @p0 .LBB2_1-.Ltmp4, $1  }
0x185: {  	_ =	sdelay $0x3  }
0x186: {  	_ =	sfence.sel $0x180000  }
0x187: {  	[bflag:$0x0] =	sbarrier.arrive $0xFFFF  }
0x188: {  	_ =	strace $0x90000047  }
0x189: {  	s0 =	stileid.u32;
	[bflag:$0x2] =	sbarrier.arrive $0xFFFF  }
0x18a: {  	p0 =	sne.s32 s0, $0x0;
	s0 =	rddreg [dreg:$0x2]  }
0x18b: {  	s0 =	sadd.s32 @!p0 $0x100000, s0  }
0x18c: {  	[sflag:s0] =	ssyncadd.tile.s32 @!p0 $0x1;
	_ =	shalt  }
.Lfunc_end2:
_tile_overlayer_lowered:
.L_overlay_start_2:
0x18d: {  	(tag) =	ssettag $0x2  }
0x18e: {  	s0 =	rddreg [dreg:$0x0];
	s2 =	stileid.u32  }
0x18f: {  	s1 =	rddreg [dreg:$0x1];
	p0 =	sne.s32 s2, $0x0  }
0x190: {  	s3 =	rddreg [dreg:$0x2];
	[bflag:$0x3] =	sbarrier.arrive $0xFFFF;
	s2 =	simm.s32 @!p0 $0x1C02  }
0x191: {  	[timem:s3], [sflag:s2] =	dma.local @!p0 [hbm:s0], s1  }
0x192: {  	s0 =	simm.s32 @!p0 $0x2  }
0x193: {  	_ =	swait.ge @!p0 [sflag:s0], s1  }
0x194: {  	s1 =	ssub.s32 @!p0 $0x0, s1;
	[sflag:s0] =	ssyncset.done @!p0 $0x0  }
0x195: {  	[sflag:s0] =	ssyncadd.s32 @!p0 s1  }
0x196: {  	[bflag:$0x3] =	sbarrier.arrive $0xFFFF  }
0x197: {  	_ =	shalt  }

</sc_bundles>
